<compile_context>
chip_gen: v7x
topology: tpu7x:2x2x1
jax: 0.10.2.dev20260603
libtpu: 0.0.44.dev20260713+nightly
codegen_flags: <defaults>
</compile_context>

<pallas_src>
import functools

import jax
import jax.numpy as jnp
from jax import lax
from jax.experimental import pallas as pl
from jax.experimental.pallas import tpu as pltpu
from jax.experimental.pallas import tpu_sc as plsc

LTM_SLOTS = 100
VECTOR_DIM = 64
DECAY_RATE = 0.995
IMPORTANCE_THRESHOLD = 0.45
SIMILARITY_THRESHOLD = 0.85
OLD_WEIGHT = 0.8
NEW_WEIGHT = 0.2
BOOST_FACTOR = 0.5
NEG_BIG = -3.4e38
PAD_STRENGTH = 1e9
RPS = 7

IV_OFF = 0
IMP_OFF = 64
STR_OFF = 80
CB_LEN = 192


def _rsqrt16(x):
    i = plsc.bitcast(x, jnp.int32)
    i = jnp.int32(0x5F3759DF) - (i >> 1)
    y = plsc.bitcast(i, jnp.float32)
    for _ in range(3):
        y = y * (jnp.float32(1.5) - jnp.float32(0.5) * x * y * y)
    return y


def _rsqrt_scalar(x):
    return jnp.max(_rsqrt16(jnp.broadcast_to(x, (16,))))


def _ffs(mask):
    lane = plsc.all_reduce_ffs(mask)
    if lane.ndim:
        lane = jnp.max(lane)
    return lane


_mesh = plsc.VectorSubcoreMesh(
    core_axis_name="c", subcore_axis_name="s", num_cores=1)


@functools.partial(
    pl.kernel,
    out_type=(
        jax.ShapeDtypeStruct((LTM_SLOTS * VECTOR_DIM,), jnp.float32),
        jax.ShapeDtypeStruct((LTM_SLOTS,), jnp.float32),
    ),
    mesh=_mesh,
    scratch_types=[
        pltpu.VMEM((CB_LEN,), jnp.float32),
        pltpu.VMEM((RPS * VECTOR_DIM,), jnp.float32),
        pltpu.VMEM((16,), jnp.float32),
        pltpu.VMEM((256,), jnp.float32),
        pltpu.VMEM((VECTOR_DIM,), jnp.float32),
        pltpu.VMEM_SHARED((256,), jnp.float32),
        pltpu.VMEM_SHARED((16 * VECTOR_DIM,), jnp.float32),
        pltpu.SemaphoreType.DMA,
    ],
    compiler_params=pltpu.CompilerParams(needs_layout_passes=False),
)
def _sc_kernel(cb_hbm, ltm_hbm, outm_hbm, outs_hbm,
               cb_v, ltm_s, rec_v, rec_all_v, old_v, shared, shared_rows,
               str_sem):
    s = lax.axis_index("s")
    lid = lax.iota(jnp.int32, 16)
    base = s * RPS

    pltpu.sync_copy(cb_hbm, cb_v)

    @pl.when(s <= 13)
    def _():
        pltpu.sync_copy(
            ltm_hbm.at[pl.ds(base * VECTOR_DIM, RPS * VECTOR_DIM)], ltm_s)

    @pl.when(s == 14)
    def _():
        pltpu.sync_copy(ltm_hbm.at[pl.ds(98 * VECTOR_DIM, 2 * VECTOR_DIM)],
                        ltm_s.at[pl.ds(0, 2 * VECTOR_DIM)])

    v = [cb_v[pl.ds(IV_OFF + 16 * j, 16)] for j in range(4)]
    nsv = jnp.sum(v[0] * v[0] + v[1] * v[1] + v[2] * v[2] + v[3] * v[3])
    inv1 = jnp.minimum(_rsqrt_scalar(nsv), jnp.float32(1e12))
    v1 = [vj * inv1 for vj in v]
    nsv1 = nsv * inv1 * inv1
    inv2 = jnp.minimum(_rsqrt_scalar(nsv1), jnp.float32(1e12))
    vn = [vj * inv2 for vj in v1]

    dvec = jnp.zeros((16,), jnp.float32)
    nsvec = jnp.zeros((16,), jnp.float32)
    for k in range(RPS):
        r = [ltm_s[pl.ds(64 * k + 16 * j, 16)] for j in range(4)]
        dacc = r[0] * vn[0] + r[1] * vn[1] + r[2] * vn[2] + r[3] * vn[3]
        nacc = r[0] * r[0] + r[1] * r[1] + r[2] * r[2] + r[3] * r[3]
        klane = lid == k
        dvec = jnp.where(klane, jnp.sum(dacc), dvec)
        nsvec = jnp.where(klane, jnp.sum(nacc), nsvec)

    nrows = jnp.where(s == 14, 2, jnp.where(s == 15, 0, RPS))
    lanemask = lid < nrows
    qvec = dvec * jnp.minimum(_rsqrt16(nsvec), jnp.float32(1e8))
    qvec = jnp.where(lanemask, qvec, jnp.float32(NEG_BIG))
    nsvec = jnp.where(lanemask, nsvec, jnp.float32(0.0))

    local_q = jnp.max(qvec)
    local_klocal = _ffs(qvec == local_q)
    local_i = base + local_klocal
    local_ns = jnp.max(nsvec)

    pltpu.sync_copy(ltm_s.at[pl.ds(local_klocal * VECTOR_DIM, VECTOR_DIM)],
                    shared_rows.at[pl.ds(s * VECTOR_DIM, VECTOR_DIM)])

    rec = (jnp.where(lid == 0, local_q, jnp.float32(0.0))
           + jnp.where(lid == 1, local_i.astype(jnp.float32), jnp.float32(0.0))
           + jnp.where(lid == 2, local_ns, jnp.float32(0.0)))
    rec_v[...] = rec
    pltpu.sync_copy(rec_v, shared.at[pl.ds(s * 16, 16)])

    @pl.when(s <= 13)
    def _():
        pltpu.sync_copy(
            ltm_s, outm_hbm.at[pl.ds(base * VECTOR_DIM, RPS * VECTOR_DIM)])

    @pl.when(s == 14)
    def _():
        pltpu.sync_copy(ltm_s.at[pl.ds(0, 2 * VECTOR_DIM)],
                        outm_hbm.at[pl.ds(98 * VECTOR_DIM, 2 * VECTOR_DIM)])

    plsc.subcore_barrier()

    @pl.when(s == 0)
    def _():
        pltpu.sync_copy(shared, rec_all_v)
        qv = plsc.load_gather(rec_all_v, [lid * 16])
        iv = plsc.load_gather(rec_all_v, [lid * 16 + 1])
        nsv16 = plsc.load_gather(rec_all_v, [lid * 16 + 2])

        best_q = jnp.max(qv)
        lane = _ffs(qv == best_q)
        best_i = jnp.sum(jnp.where(lid == lane, iv, jnp.float32(0.0))
                         ).astype(jnp.int32)
        max_ns = jnp.max(nsv16)
        imp = jnp.max(cb_v[pl.ds(IMP_OFF, 16)])

        best_s = jnp.float32(3.4e38)
        weak_i = jnp.int32(0)
        for k in range(7):
            sk = cb_v[pl.ds(STR_OFF + 16 * k, 16)]
            cmin = jnp.min(sk)
            ln = _ffs(sk == cmin)
            better = cmin < best_s
            weak_i = jnp.where(better, 16 * k + ln, weak_i)
            best_s = jnp.minimum(best_s, cmin)

        all_empty = max_ns < jnp.float32(1e-12)
        reinforce = jnp.logical_and(
            jnp.logical_not(all_empty),
            best_q > jnp.float32(SIMILARITY_THRESHOLD))
        slot = jnp.where(reinforce, best_i, weak_i)
        store_b = imp > jnp.float32(IMPORTANCE_THRESHOLD)

        pltpu.sync_copy(
            shared_rows.at[pl.ds(lane * VECTOR_DIM, VECTOR_DIM)], old_v)
        old = [old_v[pl.ds(16 * j, 16)] for j in range(4)]
        str_msi = jnp.max(
            plsc.load_gather(cb_v, [jnp.broadcast_to(STR_OFF + best_i, (16,))]))
        boosted = jnp.minimum(str_msi + imp * jnp.float32(BOOST_FACTOR),
                              jnp.float32(1.0))
        new_str = jnp.where(reinforce, boosted, imp)

        merged = [jnp.float32(OLD_WEIGHT) * old[j]
                  + jnp.float32(NEW_WEIGHT) * v1[j] for j in range(4)]
        mns = jnp.sum(merged[0] * merged[0] + merged[1] * merged[1]
                      + merged[2] * merged[2] + merged[3] * merged[3])
        invm = jnp.minimum(_rsqrt_scalar(mns), jnp.float32(1e12))
        slot_vec = [jnp.where(reinforce, merged[j] * invm, v1[j])
                    for j in range(4)]

        @pl.when(store_b)
        def _write():
            for j in range(4):
                old_v[pl.ds(16 * j, 16)] = slot_vec[j]
            plsc.store_scatter(cb_v, [jnp.broadcast_to(STR_OFF + slot, (16,))],
                               jnp.broadcast_to(new_str, (16,)))

        for k in range(7):
            x = cb_v[pl.ds(STR_OFF + 16 * k, 16)] * jnp.float32(DECAY_RATE)
            x = x * (x > jnp.float32(0.01)).astype(jnp.float32)
            cb_v[pl.ds(STR_OFF + 16 * k, 16)] = x

        h_str = pltpu.async_copy(
            cb_v.at[pl.ds(STR_OFF, LTM_SLOTS)], outs_hbm, str_sem)

        @pl.when(store_b)
        def _patch():
            pltpu.sync_copy(
                old_v, outm_hbm.at[pl.ds(slot * VECTOR_DIM, VECTOR_DIM)])

        h_str.wait()


def kernel(input_vector, importance_score, ltm_matrix, ltm_strengths):
    cb = jnp.concatenate([
        input_vector,
        jnp.full((16,), importance_score, dtype=jnp.float32),
        ltm_strengths,
        jnp.full((CB_LEN - STR_OFF - LTM_SLOTS,), PAD_STRENGTH,
                 dtype=jnp.float32),
    ])
    outm, outs = _sc_kernel(cb, ltm_matrix.reshape(-1))
    return outm.reshape(LTM_SLOTS, VECTOR_DIM), outs

# --- scband reference (transcript-rebuilt; emitter-appended) ---
"""Pipeline reference for scband-adaptive-memory-system-89197880803368 (READ-ONLY COPY).

The authoritative reference and input builder live on the scoring server;
editing this copy changes nothing except your own understanding.
"""

import jax, jax.numpy as jnp
import numpy as np

LTM_SLOTS = 100
VECTOR_DIM = 64
DECAY_RATE = 0.995
IMPORTANCE_THRESHOLD = 0.45


def setup_inputs(seed: int = 0) -> dict:
    key = jax.random.key(seed)
    k1, k2, k3 = jax.random.split(key, 3)
    input_vector = jax.random.normal(k1, (VECTOR_DIM,), dtype=jnp.float32)
    importance_score = jnp.ones((), dtype=jnp.float32)
    # Learned/persistent state: LTM matrix and strengths (initialized non-empty
    # so the similarity/consolidation path is representative).
    ltm_matrix = jax.random.normal(k2, (LTM_SLOTS, VECTOR_DIM), dtype=jnp.float32)
    ltm_strengths = jax.random.uniform(k3, (LTM_SLOTS,), dtype=jnp.float32)
    return {
        "input_vector": input_vector,
        "importance_score": importance_score,
        "ltm_matrix": ltm_matrix,
        "ltm_strengths": ltm_strengths,
    }


def _normalize(v, eps=1e-12):
    n = jnp.linalg.norm(v)
    return v / jnp.maximum(n, eps)


def reference(input_vector, importance_score, ltm_matrix, ltm_strengths):
    """Faithful jax translation of AdaptiveMemorySystem.perceive.

    Returns the updated (ltm_matrix, ltm_strengths) state tensors instead of
    the original's log string (strings are not tensor outputs). All branches
    of _consolidate_to_ltm are expressed branchlessly with jnp.where so the
    computation is trace-safe.
    """
    SIMILARITY_THRESHOLD = 0.85
    OLD_WEIGHT = 0.8
    NEW_WEIGHT = 0.2
    BOOST_FACTOR = 0.5

    # perceive: normalize input
    v = _normalize(input_vector)
    store = importance_score > IMPORTANCE_THRESHOLD

    # _consolidate_to_ltm
    vector_normalized = _normalize(v)
    ltm_norms = jnp.linalg.norm(ltm_matrix, axis=1, keepdims=True)
    all_empty = jnp.all(ltm_norms < 1e-06)
    ltm_normalized = ltm_matrix / jnp.clip(ltm_norms, 1e-08)
    similarities = ltm_normalized @ vector_normalized  # torch.mv
    max_similarity = jnp.max(similarities)
    most_similar_idx = jnp.argmax(similarities)
    weakest_slot_idx = jnp.argmin(ltm_strengths)

    reinforce = jnp.logical_and(jnp.logical_not(all_empty),
                                max_similarity > SIMILARITY_THRESHOLD)

    slot_idx = jnp.where(reinforce, most_similar_idx, weakest_slot_idx)

    old_vector = ltm_matrix[most_similar_idx]
    merged_vector = OLD_WEIGHT * old_vector + NEW_WEIGHT * v
    merged_vector = _normalize(merged_vector)
    new_slot_vector = jnp.where(reinforce, merged_vector, v)

    boosted_strength = jnp.minimum(
        ltm_strengths[most_similar_idx] + importance_score * BOOST_FACTOR, 1.0)
    new_slot_strength = jnp.where(reinforce, boosted_strength, importance_score)

    ltm_matrix_stored = ltm_matrix.at[slot_idx].set(new_slot_vector)
    ltm_strengths_stored = ltm_strengths.at[slot_idx].set(new_slot_strength)

    # only commit the write if importance exceeded the threshold
    ltm_matrix_new = jnp.where(store, ltm_matrix_stored, ltm_matrix)
    ltm_strengths_new = jnp.where(store, ltm_strengths_stored, ltm_strengths)

    # _apply_decay (Ebbinghaus forgetting)
    s = ltm_strengths_new * DECAY_RATE
    mask = (s > 0.01).astype(jnp.float32)
    s = s * mask

    return (ltm_matrix_new, s)

if __name__ == "__main__":
    import jax
    _d = setup_inputs()
    print(jax.jit(kernel)(*tuple(_d.values())))

</pallas_src>

<mosaic_0001>
#map = affine_map<(d0, d1) -> (0)>
module attributes {stable_mosaic.version = 14 : i64} {
  func.func @_sc_kernel(%arg0: i32, %arg1: i32, %arg2: memref<192xf32, #tpu.memory_space<hbm>>, %arg3: memref<6400xf32, #tpu.memory_space<hbm>>, %arg4: memref<6400xf32, #tpu.memory_space<hbm>>, %arg5: memref<100xf32, #tpu.memory_space<hbm>>, %arg6: memref<192xf32, #tpu.memory_space<vmem>>, %arg7: memref<448xf32, #tpu.memory_space<vmem>>, %arg8: memref<16xf32, #tpu.memory_space<vmem>>, %arg9: memref<256xf32, #tpu.memory_space<vmem>>, %arg10: memref<64xf32, #tpu.memory_space<vmem>>, %arg11: memref<256xf32, #tpu.memory_space<vmem_shared>>, %arg12: memref<1024xf32, #tpu.memory_space<vmem_shared>>, %arg13: memref<!tpu.dma_semaphore, #tpu.memory_space<semaphore_mem>>) attributes {dimension_semantics = [#tpu.dimension_semantics<core_parallel>, #tpu.dimension_semantics<subcore_parallel>], iteration_bounds = array<i64: 1, 16>, scalar_prefetch = 0 : i64, scratch_operands = 8 : i64, tpu.core_type = #tpu.core_type<sc_vector_subcore>, window_params = [{transform_indices = #map}, {transform_indices = #map}, {transform_indices = #map}, {transform_indices = #map}]} {
    %iota3A = tpu.iota {dimensions = array<i32: 0>} : vector<16xi32>
    %mul3A = arith.constant 7 : i32
    %mul3A_0 = arith.muli %arg1, %mul3A : i32
    "tpu.region"() ({
      %run_scoped3A = tpu.sem_alloc : memref<!tpu.dma_semaphore, #tpu.memory_space<semaphore_mem>>
      tpu.enqueue_dma source(%arg2 : memref<192xf32, #tpu.memory_space<hbm>>) target(%arg6 : memref<192xf32, #tpu.memory_space<vmem>>) target_semaphore(%run_scoped3A : memref<!tpu.dma_semaphore, #tpu.memory_space<semaphore_mem>>)
      tpu.wait_dma2 semaphore(%run_scoped3A : memref<!tpu.dma_semaphore, #tpu.memory_space<semaphore_mem>>) src(%arg2 : memref<192xf32, #tpu.memory_space<hbm>>) dst(%arg6 : memref<192xf32, #tpu.memory_space<vmem>>)
      tpu.yield
    }) : () -> ()
    %le3A = arith.constant 13 : i32
    %le3A_1 = arith.cmpi sle, %arg1, %le3A : i32
    %convert_element_type3A = arith.extui %le3A_1 : i1 to i32
    %cond3A = arith.constant 0 : i32
    %cond3A_2 = arith.cmpi ne, %convert_element_type3A, %cond3A : i32
    scf.if %cond3A_2 {
      %mul3A_500 = arith.constant 64 : i32
      %mul3A_501 = arith.muli %mul3A_0, %mul3A_500 : i32
      "tpu.region"() ({
        %run_scoped3A = tpu.sem_alloc : memref<!tpu.dma_semaphore, #tpu.memory_space<semaphore_mem>>
        %dma_start3A = tpu.memref_slice %arg3[%mul3A_501] : memref<6400xf32, #tpu.memory_space<hbm>> -> memref<448xf32, #tpu.memory_space<hbm>>
        %dma_start3A_502 = tpu.memref_slice %arg3[%mul3A_501] : memref<6400xf32, #tpu.memory_space<hbm>> -> memref<448xf32, #tpu.memory_space<hbm>>
        tpu.enqueue_dma source(%dma_start3A_502 : memref<448xf32, #tpu.memory_space<hbm>>) target(%arg7 : memref<448xf32, #tpu.memory_space<vmem>>) target_semaphore(%run_scoped3A : memref<!tpu.dma_semaphore, #tpu.memory_space<semaphore_mem>>)
        %dma_wait3A = tpu.memref_slice %arg3[%mul3A_501] : memref<6400xf32, #tpu.memory_space<hbm>> -> memref<448xf32, #tpu.memory_space<hbm>>
        %dma_wait3A_503 = tpu.memref_slice %arg3[%mul3A_501] : memref<6400xf32, #tpu.memory_space<hbm>> -> memref<448xf32, #tpu.memory_space<hbm>>
        tpu.wait_dma2 semaphore(%run_scoped3A : memref<!tpu.dma_semaphore, #tpu.memory_space<semaphore_mem>>) src(%dma_wait3A_503 : memref<448xf32, #tpu.memory_space<hbm>>) dst(%arg7 : memref<448xf32, #tpu.memory_space<vmem>>)
        tpu.yield
      }) : () -> ()
    } else {
    }
    %eq3A = arith.constant 14 : i32
    %eq3A_3 = arith.cmpi eq, %arg1, %eq3A : i32
    %convert_element_type3A_4 = arith.extui %eq3A_3 : i1 to i32
    %cond3A_5 = arith.constant 0 : i32
    %cond3A_6 = arith.cmpi ne, %convert_element_type3A_4, %cond3A_5 : i32
    scf.if %cond3A_6 {
      "tpu.region"() ({
        %run_scoped3A = tpu.sem_alloc : memref<!tpu.dma_semaphore, #tpu.memory_space<semaphore_mem>>
        %dma_start3A = arith.constant 0 : i32
        %dma_start3A_500 = tpu.memref_slice %arg7[%dma_start3A] : memref<448xf32, #tpu.memory_space<vmem>> -> memref<128xf32, #tpu.memory_space<vmem>>
        %dma_start3A_501 = arith.constant 6272 : i32
        %dma_start3A_502 = tpu.memref_slice %arg3[%dma_start3A_501] : memref<6400xf32, #tpu.memory_space<hbm>> -> memref<128xf32, #tpu.memory_space<hbm>>
        %dma_start3A_503 = arith.constant 0 : i32
        %dma_start3A_504 = tpu.memref_slice %arg7[%dma_start3A_503] : memref<448xf32, #tpu.memory_space<vmem>> -> memref<128xf32, #tpu.memory_space<vmem>>
        %dma_start3A_505 = arith.constant 6272 : i32
        %dma_start3A_506 = tpu.memref_slice %arg3[%dma_start3A_505] : memref<6400xf32, #tpu.memory_space<hbm>> -> memref<128xf32, #tpu.memory_space<hbm>>
        tpu.enqueue_dma source(%dma_start3A_506 : memref<128xf32, #tpu.memory_space<hbm>>) target(%dma_start3A_504 : memref<128xf32, #tpu.memory_space<vmem>>) target_semaphore(%run_scoped3A : memref<!tpu.dma_semaphore, #tpu.memory_space<semaphore_mem>>)
        %dma_wait3A = arith.constant 0 : i32
        %dma_wait3A_507 = tpu.memref_slice %arg7[%dma_wait3A] : memref<448xf32, #tpu.memory_space<vmem>> -> memref<128xf32, #tpu.memory_space<vmem>>
        %dma_wait3A_508 = arith.constant 6272 : i32
        %dma_wait3A_509 = tpu.memref_slice %arg3[%dma_wait3A_508] : memref<6400xf32, #tpu.memory_space<hbm>> -> memref<128xf32, #tpu.memory_space<hbm>>
        %dma_wait3A_510 = arith.constant 0 : i32
        %dma_wait3A_511 = tpu.memref_slice %arg7[%dma_wait3A_510] : memref<448xf32, #tpu.memory_space<vmem>> -> memref<128xf32, #tpu.memory_space<vmem>>
        %dma_wait3A_512 = arith.constant 6272 : i32
        %dma_wait3A_513 = tpu.memref_slice %arg3[%dma_wait3A_512] : memref<6400xf32, #tpu.memory_space<hbm>> -> memref<128xf32, #tpu.memory_space<hbm>>
        tpu.wait_dma2 semaphore(%run_scoped3A : memref<!tpu.dma_semaphore, #tpu.memory_space<semaphore_mem>>) src(%dma_wait3A_513 : memref<128xf32, #tpu.memory_space<hbm>>) dst(%dma_wait3A_511 : memref<128xf32, #tpu.memory_space<vmem>>)
        tpu.yield
      }) : () -> ()
    } else {
    }
    %get3A = arith.constant 0 : index
    %get3A_7 = tpu.vector_load %arg6[%get3A] {strides = array<i32>} : memref<192xf32, #tpu.memory_space<vmem>>, vector<16xf32>,
    %get3A_8 = arith.constant 16 : index
    %get3A_9 = tpu.vector_load %arg6[%get3A_8] {strides = array<i32>} : memref<192xf32, #tpu.memory_space<vmem>>, vector<16xf32>,
    %get3A_10 = arith.constant 32 : index
    %get3A_11 = tpu.vector_load %arg6[%get3A_10] {strides = array<i32>} : memref<192xf32, #tpu.memory_space<vmem>>, vector<16xf32>,
    %get3A_12 = arith.constant 48 : index
    %get3A_13 = tpu.vector_load %arg6[%get3A_12] {strides = array<i32>} : memref<192xf32, #tpu.memory_space<vmem>>, vector<16xf32>,
    %mul3A_14 = arith.mulf %get3A_7, %get3A_7 : vector<16xf32>
    %mul3A_15 = arith.mulf %get3A_9, %get3A_9 : vector<16xf32>
    %add3A = arith.addf %mul3A_14, %mul3A_15 : vector<16xf32>
    %mul3A_16 = arith.mulf %get3A_11, %get3A_11 : vector<16xf32>
    %add3A_17 = arith.addf %add3A, %mul3A_16 : vector<16xf32>
    %mul3A_18 = arith.mulf %get3A_13, %get3A_13 : vector<16xf32>
    %add3A_19 = arith.addf %add3A_17, %mul3A_18 : vector<16xf32>
    %reduce_sum3A = arith.constant true
    %reduce_sum3A_20 = vector.broadcast %reduce_sum3A : i1 to vector<16xi1>
    %reduce_sum3A_21 = tpu.scan <sum>, %add3A_19 masked %reduce_sum3A_20 : vector<16xf32>, vector<16xi1> -> vector<16xf32>
    %reduce_sum3A_22 = vector.extract %reduce_sum3A_21[15] : f32 from vector<16xf32>
    %broadcast_in_dim3A = vector.broadcast %reduce_sum3A_22 : f32 to vector<16xf32>
    %bitcast3A = vector.bitcast %broadcast_in_dim3A : vector<16xf32> to vector<16xi32>
    %shift_right_arithmetic3A = arith.constant 1 : i32
    %shift_right_arithmetic3A_23 = vector.broadcast %shift_right_arithmetic3A : i32 to vector<16xi32>
    %shift_right_arithmetic3A_24 = arith.shrsi %bitcast3A, %shift_right_arithmetic3A_23 : vector<16xi32>
    %sub3A = arith.constant 1597463007 : i32
    %sub3A_25 = vector.broadcast %sub3A : i32 to vector<16xi32>
    %sub3A_26 = arith.subi %sub3A_25, %shift_right_arithmetic3A_24 : vector<16xi32>
    %bitcast3A_27 = vector.bitcast %sub3A_26 : vector<16xi32> to vector<16xf32>
    %mul3A_28 = arith.constant 5.000000e-01 : f32
    %mul3A_29 = vector.broadcast %mul3A_28 : f32 to vector<16xf32>
    %mul3A_30 = arith.mulf %mul3A_29, %broadcast_in_dim3A : vector<16xf32>
    %mul3A_31 = arith.mulf %mul3A_30, %bitcast3A_27 : vector<16xf32>
    %mul3A_32 = arith.mulf %mul3A_31, %bitcast3A_27 : vector<16xf32>
    %sub3A_33 = arith.constant 1.500000e+00 : f32
    %sub3A_34 = vector.broadcast %sub3A_33 : f32 to vector<16xf32>
    %sub3A_35 = arith.subf %sub3A_34, %mul3A_32 : vector<16xf32>
    %mul3A_36 = arith.mulf %bitcast3A_27, %sub3A_35 : vector<16xf32>
    %mul3A_37 = arith.constant 5.000000e-01 : f32
    %mul3A_38 = vector.broadcast %mul3A_37 : f32 to vector<16xf32>
    %mul3A_39 = arith.mulf %mul3A_38, %broadcast_in_dim3A : vector<16xf32>
    %mul3A_40 = arith.mulf %mul3A_39, %mul3A_36 : vector<16xf32>
    %mul3A_41 = arith.mulf %mul3A_40, %mul3A_36 : vector<16xf32>
    %sub3A_42 = arith.constant 1.500000e+00 : f32
    %sub3A_43 = vector.broadcast %sub3A_42 : f32 to vector<16xf32>
    %sub3A_44 = arith.subf %sub3A_43, %mul3A_41 : vector<16xf32>
    %mul3A_45 = arith.mulf %mul3A_36, %sub3A_44 : vector<16xf32>
    %mul3A_46 = arith.constant 5.000000e-01 : f32
    %mul3A_47 = vector.broadcast %mul3A_46 : f32 to vector<16xf32>
    %mul3A_48 = arith.mulf %mul3A_47, %broadcast_in_dim3A : vector<16xf32>
    %mul3A_49 = arith.mulf %mul3A_48, %mul3A_45 : vector<16xf32>
    %mul3A_50 = arith.mulf %mul3A_49, %mul3A_45 : vector<16xf32>
    %sub3A_51 = arith.constant 1.500000e+00 : f32
    %sub3A_52 = vector.broadcast %sub3A_51 : f32 to vector<16xf32>
    %sub3A_53 = arith.subf %sub3A_52, %mul3A_50 : vector<16xf32>
    %mul3A_54 = arith.mulf %mul3A_45, %sub3A_53 : vector<16xf32>
    %reduce_max3A = arith.constant true
    %reduce_max3A_55 = vector.broadcast %reduce_max3A : i1 to vector<16xi1>
    %reduce_max3A_56 = tpu.scan <max>, %mul3A_54 masked %reduce_max3A_55 : vector<16xf32>, vector<16xi1> -> vector<16xf32>
    %reduce_max3A_57 = vector.extract %reduce_max3A_56[15] : f32 from vector<16xf32>
    %min3A = arith.constant 9.99999995E+11 : f32
    %min3A_58 = arith.minimumf %reduce_max3A_57, %min3A : f32
    %mul3A_59 = vector.broadcast %min3A_58 : f32 to vector<16xf32>
    %mul3A_60 = arith.mulf %get3A_7, %mul3A_59 : vector<16xf32>
    %mul3A_61 = vector.broadcast %min3A_58 : f32 to vector<16xf32>
    %mul3A_62 = arith.mulf %get3A_9, %mul3A_61 : vector<16xf32>
    %mul3A_63 = vector.broadcast %min3A_58 : f32 to vector<16xf32>
    %mul3A_64 = arith.mulf %get3A_11, %mul3A_63 : vector<16xf32>
    %mul3A_65 = vector.broadcast %min3A_58 : f32 to vector<16xf32>
    %mul3A_66 = arith.mulf %get3A_13, %mul3A_65 : vector<16xf32>
    %mul3A_67 = arith.mulf %reduce_sum3A_22, %min3A_58 : f32
    %mul3A_68 = arith.mulf %mul3A_67, %min3A_58 : f32
    %broadcast_in_dim3A_69 = vector.broadcast %mul3A_68 : f32 to vector<16xf32>
    %bitcast3A_70 = vector.bitcast %broadcast_in_dim3A_69 : vector<16xf32> to vector<16xi32>
    %shift_right_arithmetic3A_71 = arith.constant 1 : i32
    %shift_right_arithmetic3A_72 = vector.broadcast %shift_right_arithmetic3A_71 : i32 to vector<16xi32>
    %shift_right_arithmetic3A_73 = arith.shrsi %bitcast3A_70, %shift_right_arithmetic3A_72 : vector<16xi32>
    %sub3A_74 = arith.constant 1597463007 : i32
    %sub3A_75 = vector.broadcast %sub3A_74 : i32 to vector<16xi32>
    %sub3A_76 = arith.subi %sub3A_75, %shift_right_arithmetic3A_73 : vector<16xi32>
    %bitcast3A_77 = vector.bitcast %sub3A_76 : vector<16xi32> to vector<16xf32>
    %mul3A_78 = arith.constant 5.000000e-01 : f32
    %mul3A_79 = vector.broadcast %mul3A_78 : f32 to vector<16xf32>
    %mul3A_80 = arith.mulf %mul3A_79, %broadcast_in_dim3A_69 : vector<16xf32>
    %mul3A_81 = arith.mulf %mul3A_80, %bitcast3A_77 : vector<16xf32>
    %mul3A_82 = arith.mulf %mul3A_81, %bitcast3A_77 : vector<16xf32>
    %sub3A_83 = arith.constant 1.500000e+00 : f32
    %sub3A_84 = vector.broadcast %sub3A_83 : f32 to vector<16xf32>
    %sub3A_85 = arith.subf %sub3A_84, %mul3A_82 : vector<16xf32>
    %mul3A_86 = arith.mulf %bitcast3A_77, %sub3A_85 : vector<16xf32>
    %mul3A_87 = arith.constant 5.000000e-01 : f32
    %mul3A_88 = vector.broadcast %mul3A_87 : f32 to vector<16xf32>
    %mul3A_89 = arith.mulf %mul3A_88, %broadcast_in_dim3A_69 : vector<16xf32>
    %mul3A_90 = arith.mulf %mul3A_89, %mul3A_86 : vector<16xf32>
    %mul3A_91 = arith.mulf %mul3A_90, %mul3A_86 : vector<16xf32>
    %sub3A_92 = arith.constant 1.500000e+00 : f32
    %sub3A_93 = vector.broadcast %sub3A_92 : f32 to vector<16xf32>
    %sub3A_94 = arith.subf %sub3A_93, %mul3A_91 : vector<16xf32>
    %mul3A_95 = arith.mulf %mul3A_86, %sub3A_94 : vector<16xf32>
    %mul3A_96 = arith.constant 5.000000e-01 : f32
    %mul3A_97 = vector.broadcast %mul3A_96 : f32 to vector<16xf32>
    %mul3A_98 = arith.mulf %mul3A_97, %broadcast_in_dim3A_69 : vector<16xf32>
    %mul3A_99 = arith.mulf %mul3A_98, %mul3A_95 : vector<16xf32>
    %mul3A_100 = arith.mulf %mul3A_99, %mul3A_95 : vector<16xf32>
    %sub3A_101 = arith.constant 1.500000e+00 : f32
    %sub3A_102 = vector.broadcast %sub3A_101 : f32 to vector<16xf32>
    %sub3A_103 = arith.subf %sub3A_102, %mul3A_100 : vector<16xf32>
    %mul3A_104 = arith.mulf %mul3A_95, %sub3A_103 : vector<16xf32>
    %reduce_max3A_105 = arith.constant true
    %reduce_max3A_106 = vector.broadcast %reduce_max3A_105 : i1 to vector<16xi1>
    %reduce_max3A_107 = tpu.scan <max>, %mul3A_104 masked %reduce_max3A_106 : vector<16xf32>, vector<16xi1> -> vector<16xf32>
    %reduce_max3A_108 = vector.extract %reduce_max3A_107[15] : f32 from vector<16xf32>
    %min3A_109 = arith.constant 9.99999995E+11 : f32
    %min3A_110 = arith.minimumf %reduce_max3A_108, %min3A_109 : f32
    %mul3A_111 = vector.broadcast %min3A_110 : f32 to vector<16xf32>
    %mul3A_112 = arith.mulf %mul3A_60, %mul3A_111 : vector<16xf32>
    %mul3A_113 = vector.broadcast %min3A_110 : f32 to vector<16xf32>
    %mul3A_114 = arith.mulf %mul3A_62, %mul3A_113 : vector<16xf32>
    %mul3A_115 = vector.broadcast %min3A_110 : f32 to vector<16xf32>
    %mul3A_116 = arith.mulf %mul3A_64, %mul3A_115 : vector<16xf32>
    %mul3A_117 = vector.broadcast %min3A_110 : f32 to vector<16xf32>
    %mul3A_118 = arith.mulf %mul3A_66, %mul3A_117 : vector<16xf32>
    %broadcast_in_dim3A_119 = arith.constant 0.000000e+00 : f32
    %broadcast_in_dim3A_120 = vector.broadcast %broadcast_in_dim3A_119 : f32 to vector<16xf32>
    %broadcast_in_dim3A_121 = arith.constant 0.000000e+00 : f32
    %broadcast_in_dim3A_122 = vector.broadcast %broadcast_in_dim3A_121 : f32 to vector<16xf32>
    %get3A_123 = arith.constant 0 : index
    %get3A_124 = tpu.vector_load %arg7[%get3A_123] {strides = array<i32>} : memref<448xf32, #tpu.memory_space<vmem>>, vector<16xf32>,
    %get3A_125 = arith.constant 16 : index
    %get3A_126 = tpu.vector_load %arg7[%get3A_125] {strides = array<i32>} : memref<448xf32, #tpu.memory_space<vmem>>, vector<16xf32>,
    %get3A_127 = arith.constant 32 : index
    %get3A_128 = tpu.vector_load %arg7[%get3A_127] {strides = array<i32>} : memref<448xf32, #tpu.memory_space<vmem>>, vector<16xf32>,
    %get3A_129 = arith.constant 48 : index
    %get3A_130 = tpu.vector_load %arg7[%get3A_129] {strides = array<i32>} : memref<448xf32, #tpu.memory_space<vmem>>, vector<16xf32>,
    %mul3A_131 = arith.mulf %get3A_124, %mul3A_112 : vector<16xf32>
    %mul3A_132 = arith.mulf %get3A_126, %mul3A_114 : vector<16xf32>
    %add3A_133 = arith.addf %mul3A_131, %mul3A_132 : vector<16xf32>
    %mul3A_134 = arith.mulf %get3A_128, %mul3A_116 : vector<16xf32>
    %add3A_135 = arith.addf %add3A_133, %mul3A_134 : vector<16xf32>
    %mul3A_136 = arith.mulf %get3A_130, %mul3A_118 : vector<16xf32>
    %add3A_137 = arith.addf %add3A_135, %mul3A_136 : vector<16xf32>
    %mul3A_138 = arith.mulf %get3A_124, %get3A_124 : vector<16xf32>
    %mul3A_139 = arith.mulf %get3A_126, %get3A_126 : vector<16xf32>
    %add3A_140 = arith.addf %mul3A_138, %mul3A_139 : vector<16xf32>
    %mul3A_141 = arith.mulf %get3A_128, %get3A_128 : vector<16xf32>
    %add3A_142 = arith.addf %add3A_140, %mul3A_141 : vector<16xf32>
    %mul3A_143 = arith.mulf %get3A_130, %get3A_130 : vector<16xf32>
    %add3A_144 = arith.addf %add3A_142, %mul3A_143 : vector<16xf32>
    %eq3A_145 = arith.constant 0 : i32
    %eq3A_146 = vector.broadcast %eq3A_145 : i32 to vector<16xi32>
    %eq3A_147 = arith.cmpi eq, %iota3A, %eq3A_146 : vector<16xi32>
    %reduce_sum3A_148 = arith.constant true
    %reduce_sum3A_149 = vector.broadcast %reduce_sum3A_148 : i1 to vector<16xi1>
    %reduce_sum3A_150 = tpu.scan <sum>, %add3A_137 masked %reduce_sum3A_149 : vector<16xf32>, vector<16xi1> -> vector<16xf32>
    %reduce_sum3A_151 = vector.extract %reduce_sum3A_150[15] : f32 from vector<16xf32>
    %broadcast_in_dim3A_152 = vector.broadcast %reduce_sum3A_151 : f32 to vector<16xf32>
    %select_n3A = arith.select %eq3A_147, %broadcast_in_dim3A_152, %broadcast_in_dim3A_120 : vector<16xi1>, vector<16xf32>
    %reduce_sum3A_153 = arith.constant true
    %reduce_sum3A_154 = vector.broadcast %reduce_sum3A_153 : i1 to vector<16xi1>
    %reduce_sum3A_155 = tpu.scan <sum>, %add3A_144 masked %reduce_sum3A_154 : vector<16xf32>, vector<16xi1> -> vector<16xf32>
    %reduce_sum3A_156 = vector.extract %reduce_sum3A_155[15] : f32 from vector<16xf32>
    %broadcast_in_dim3A_157 = vector.broadcast %reduce_sum3A_156 : f32 to vector<16xf32>
    %select_n3A_158 = arith.select %eq3A_147, %broadcast_in_dim3A_157, %broadcast_in_dim3A_122 : vector<16xi1>, vector<16xf32>
    %get3A_159 = arith.constant 64 : index
    %get3A_160 = tpu.vector_load %arg7[%get3A_159] {strides = array<i32>} : memref<448xf32, #tpu.memory_space<vmem>>, vector<16xf32>,
    %get3A_161 = arith.constant 80 : index
    %get3A_162 = tpu.vector_load %arg7[%get3A_161] {strides = array<i32>} : memref<448xf32, #tpu.memory_space<vmem>>, vector<16xf32>,
    %get3A_163 = arith.constant 96 : index
    %get3A_164 = tpu.vector_load %arg7[%get3A_163] {strides = array<i32>} : memref<448xf32, #tpu.memory_space<vmem>>, vector<16xf32>,
    %get3A_165 = arith.constant 112 : index
    %get3A_166 = tpu.vector_load %arg7[%get3A_165] {strides = array<i32>} : memref<448xf32, #tpu.memory_space<vmem>>, vector<16xf32>,
    %mul3A_167 = arith.mulf %get3A_160, %mul3A_112 : vector<16xf32>
    %mul3A_168 = arith.mulf %get3A_162, %mul3A_114 : vector<16xf32>
    %add3A_169 = arith.addf %mul3A_167, %mul3A_168 : vector<16xf32>
    %mul3A_170 = arith.mulf %get3A_164, %mul3A_116 : vector<16xf32>
    %add3A_171 = arith.addf %add3A_169, %mul3A_170 : vector<16xf32>
    %mul3A_172 = arith.mulf %get3A_166, %mul3A_118 : vector<16xf32>
    %add3A_173 = arith.addf %add3A_171, %mul3A_172 : vector<16xf32>
    %mul3A_174 = arith.mulf %get3A_160, %get3A_160 : vector<16xf32>
    %mul3A_175 = arith.mulf %get3A_162, %get3A_162 : vector<16xf32>
    %add3A_176 = arith.addf %mul3A_174, %mul3A_175 : vector<16xf32>
    %mul3A_177 = arith.mulf %get3A_164, %get3A_164 : vector<16xf32>
    %add3A_178 = arith.addf %add3A_176, %mul3A_177 : vector<16xf32>
    %mul3A_179 = arith.mulf %get3A_166, %get3A_166 : vector<16xf32>
    %add3A_180 = arith.addf %add3A_178, %mul3A_179 : vector<16xf32>
    %eq3A_181 = arith.constant 1 : i32
    %eq3A_182 = vector.broadcast %eq3A_181 : i32 to vector<16xi32>
    %eq3A_183 = arith.cmpi eq, %iota3A, %eq3A_182 : vector<16xi32>
    %reduce_sum3A_184 = arith.constant true
    %reduce_sum3A_185 = vector.broadcast %reduce_sum3A_184 : i1 to vector<16xi1>
    %reduce_sum3A_186 = tpu.scan <sum>, %add3A_173 masked %reduce_sum3A_185 : vector<16xf32>, vector<16xi1> -> vector<16xf32>
    %reduce_sum3A_187 = vector.extract %reduce_sum3A_186[15] : f32 from vector<16xf32>
    %broadcast_in_dim3A_188 = vector.broadcast %reduce_sum3A_187 : f32 to vector<16xf32>
    %select_n3A_189 = arith.select %eq3A_183, %broadcast_in_dim3A_188, %select_n3A : vector<16xi1>, vector<16xf32>
    %reduce_sum3A_190 = arith.constant true
    %reduce_sum3A_191 = vector.broadcast %reduce_sum3A_190 : i1 to vector<16xi1>
    %reduce_sum3A_192 = tpu.scan <sum>, %add3A_180 masked %reduce_sum3A_191 : vector<16xf32>, vector<16xi1> -> vector<16xf32>
    %reduce_sum3A_193 = vector.extract %reduce_sum3A_192[15] : f32 from vector<16xf32>
    %broadcast_in_dim3A_194 = vector.broadcast %reduce_sum3A_193 : f32 to vector<16xf32>
    %select_n3A_195 = arith.select %eq3A_183, %broadcast_in_dim3A_194, %select_n3A_158 : vector<16xi1>, vector<16xf32>
    %get3A_196 = arith.constant 128 : index
    %get3A_197 = tpu.vector_load %arg7[%get3A_196] {strides = array<i32>} : memref<448xf32, #tpu.memory_space<vmem>>, vector<16xf32>,
    %get3A_198 = arith.constant 144 : index
    %get3A_199 = tpu.vector_load %arg7[%get3A_198] {strides = array<i32>} : memref<448xf32, #tpu.memory_space<vmem>>, vector<16xf32>,
    %get3A_200 = arith.constant 160 : index
    %get3A_201 = tpu.vector_load %arg7[%get3A_200] {strides = array<i32>} : memref<448xf32, #tpu.memory_space<vmem>>, vector<16xf32>,
    %get3A_202 = arith.constant 176 : index
    %get3A_203 = tpu.vector_load %arg7[%get3A_202] {strides = array<i32>} : memref<448xf32, #tpu.memory_space<vmem>>, vector<16xf32>,
    %mul3A_204 = arith.mulf %get3A_197, %mul3A_112 : vector<16xf32>
    %mul3A_205 = arith.mulf %get3A_199, %mul3A_114 : vector<16xf32>
    %add3A_206 = arith.addf %mul3A_204, %mul3A_205 : vector<16xf32>
    %mul3A_207 = arith.mulf %get3A_201, %mul3A_116 : vector<16xf32>
    %add3A_208 = arith.addf %add3A_206, %mul3A_207 : vector<16xf32>
    %mul3A_209 = arith.mulf %get3A_203, %mul3A_118 : vector<16xf32>
    %add3A_210 = arith.addf %add3A_208, %mul3A_209 : vector<16xf32>
    %mul3A_211 = arith.mulf %get3A_197, %get3A_197 : vector<16xf32>
    %mul3A_212 = arith.mulf %get3A_199, %get3A_199 : vector<16xf32>
    %add3A_213 = arith.addf %mul3A_211, %mul3A_212 : vector<16xf32>
    %mul3A_214 = arith.mulf %get3A_201, %get3A_201 : vector<16xf32>
    %add3A_215 = arith.addf %add3A_213, %mul3A_214 : vector<16xf32>
    %mul3A_216 = arith.mulf %get3A_203, %get3A_203 : vector<16xf32>
    %add3A_217 = arith.addf %add3A_215, %mul3A_216 : vector<16xf32>
    %eq3A_218 = arith.constant 2 : i32
    %eq3A_219 = vector.broadcast %eq3A_218 : i32 to vector<16xi32>
    %eq3A_220 = arith.cmpi eq, %iota3A, %eq3A_219 : vector<16xi32>
    %reduce_sum3A_221 = arith.constant true
    %reduce_sum3A_222 = vector.broadcast %reduce_sum3A_221 : i1 to vector<16xi1>
    %reduce_sum3A_223 = tpu.scan <sum>, %add3A_210 masked %reduce_sum3A_222 : vector<16xf32>, vector<16xi1> -> vector<16xf32>
    %reduce_sum3A_224 = vector.extract %reduce_sum3A_223[15] : f32 from vector<16xf32>
    %broadcast_in_dim3A_225 = vector.broadcast %reduce_sum3A_224 : f32 to vector<16xf32>
    %select_n3A_226 = arith.select %eq3A_220, %broadcast_in_dim3A_225, %select_n3A_189 : vector<16xi1>, vector<16xf32>
    %reduce_sum3A_227 = arith.constant true
    %reduce_sum3A_228 = vector.broadcast %reduce_sum3A_227 : i1 to vector<16xi1>
    %reduce_sum3A_229 = tpu.scan <sum>, %add3A_217 masked %reduce_sum3A_228 : vector<16xf32>, vector<16xi1> -> vector<16xf32>
    %reduce_sum3A_230 = vector.extract %reduce_sum3A_229[15] : f32 from vector<16xf32>
    %broadcast_in_dim3A_231 = vector.broadcast %reduce_sum3A_230 : f32 to vector<16xf32>
    %select_n3A_232 = arith.select %eq3A_220, %broadcast_in_dim3A_231, %select_n3A_195 : vector<16xi1>, vector<16xf32>
    %get3A_233 = arith.constant 192 : index
    %get3A_234 = tpu.vector_load %arg7[%get3A_233] {strides = array<i32>} : memref<448xf32, #tpu.memory_space<vmem>>, vector<16xf32>,
    %get3A_235 = arith.constant 208 : index
    %get3A_236 = tpu.vector_load %arg7[%get3A_235] {strides = array<i32>} : memref<448xf32, #tpu.memory_space<vmem>>, vector<16xf32>,
    %get3A_237 = arith.constant 224 : index
    %get3A_238 = tpu.vector_load %arg7[%get3A_237] {strides = array<i32>} : memref<448xf32, #tpu.memory_space<vmem>>, vector<16xf32>,
    %get3A_239 = arith.constant 240 : index
    %get3A_240 = tpu.vector_load %arg7[%get3A_239] {strides = array<i32>} : memref<448xf32, #tpu.memory_space<vmem>>, vector<16xf32>,
    %mul3A_241 = arith.mulf %get3A_234, %mul3A_112 : vector<16xf32>
    %mul3A_242 = arith.mulf %get3A_236, %mul3A_114 : vector<16xf32>
    %add3A_243 = arith.addf %mul3A_241, %mul3A_242 : vector<16xf32>
    %mul3A_244 = arith.mulf %get3A_238, %mul3A_116 : vector<16xf32>
    %add3A_245 = arith.addf %add3A_243, %mul3A_244 : vector<16xf32>
    %mul3A_246 = arith.mulf %get3A_240, %mul3A_118 : vector<16xf32>
    %add3A_247 = arith.addf %add3A_245, %mul3A_246 : vector<16xf32>
    %mul3A_248 = arith.mulf %get3A_234, %get3A_234 : vector<16xf32>
    %mul3A_249 = arith.mulf %get3A_236, %get3A_236 : vector<16xf32>
    %add3A_250 = arith.addf %mul3A_248, %mul3A_249 : vector<16xf32>
    %mul3A_251 = arith.mulf %get3A_238, %get3A_238 : vector<16xf32>
    %add3A_252 = arith.addf %add3A_250, %mul3A_251 : vector<16xf32>
    %mul3A_253 = arith.mulf %get3A_240, %get3A_240 : vector<16xf32>
    %add3A_254 = arith.addf %add3A_252, %mul3A_253 : vector<16xf32>
    %eq3A_255 = arith.constant 3 : i32
    %eq3A_256 = vector.broadcast %eq3A_255 : i32 to vector<16xi32>
    %eq3A_257 = arith.cmpi eq, %iota3A, %eq3A_256 : vector<16xi32>
    %reduce_sum3A_258 = arith.constant true
    %reduce_sum3A_259 = vector.broadcast %reduce_sum3A_258 : i1 to vector<16xi1>
    %reduce_sum3A_260 = tpu.scan <sum>, %add3A_247 masked %reduce_sum3A_259 : vector<16xf32>, vector<16xi1> -> vector<16xf32>
    %reduce_sum3A_261 = vector.extract %reduce_sum3A_260[15] : f32 from vector<16xf32>
    %broadcast_in_dim3A_262 = vector.broadcast %reduce_sum3A_261 : f32 to vector<16xf32>
    %select_n3A_263 = arith.select %eq3A_257, %broadcast_in_dim3A_262, %select_n3A_226 : vector<16xi1>, vector<16xf32>
    %reduce_sum3A_264 = arith.constant true
    %reduce_sum3A_265 = vector.broadcast %reduce_sum3A_264 : i1 to vector<16xi1>
    %reduce_sum3A_266 = tpu.scan <sum>, %add3A_254 masked %reduce_sum3A_265 : vector<16xf32>, vector<16xi1> -> vector<16xf32>
    %reduce_sum3A_267 = vector.extract %reduce_sum3A_266[15] : f32 from vector<16xf32>
    %broadcast_in_dim3A_268 = vector.broadcast %reduce_sum3A_267 : f32 to vector<16xf32>
    %select_n3A_269 = arith.select %eq3A_257, %broadcast_in_dim3A_268, %select_n3A_232 : vector<16xi1>, vector<16xf32>
    %get3A_270 = arith.constant 256 : index
    %get3A_271 = tpu.vector_load %arg7[%get3A_270] {strides = array<i32>} : memref<448xf32, #tpu.memory_space<vmem>>, vector<16xf32>,
    %get3A_272 = arith.constant 272 : index
    %get3A_273 = tpu.vector_load %arg7[%get3A_272] {strides = array<i32>} : memref<448xf32, #tpu.memory_space<vmem>>, vector<16xf32>,
    %get3A_274 = arith.constant 288 : index
    %get3A_275 = tpu.vector_load %arg7[%get3A_274] {strides = array<i32>} : memref<448xf32, #tpu.memory_space<vmem>>, vector<16xf32>,
    %get3A_276 = arith.constant 304 : index
    %get3A_277 = tpu.vector_load %arg7[%get3A_276] {strides = array<i32>} : memref<448xf32, #tpu.memory_space<vmem>>, vector<16xf32>,
    %mul3A_278 = arith.mulf %get3A_271, %mul3A_112 : vector<16xf32>
    %mul3A_279 = arith.mulf %get3A_273, %mul3A_114 : vector<16xf32>
    %add3A_280 = arith.addf %mul3A_278, %mul3A_279 : vector<16xf32>
    %mul3A_281 = arith.mulf %get3A_275, %mul3A_116 : vector<16xf32>
    %add3A_282 = arith.addf %add3A_280, %mul3A_281 : vector<16xf32>
    %mul3A_283 = arith.mulf %get3A_277, %mul3A_118 : vector<16xf32>
    %add3A_284 = arith.addf %add3A_282, %mul3A_283 : vector<16xf32>
    %mul3A_285 = arith.mulf %get3A_271, %get3A_271 : vector<16xf32>
    %mul3A_286 = arith.mulf %get3A_273, %get3A_273 : vector<16xf32>
    %add3A_287 = arith.addf %mul3A_285, %mul3A_286 : vector<16xf32>
    %mul3A_288 = arith.mulf %get3A_275, %get3A_275 : vector<16xf32>
    %add3A_289 = arith.addf %add3A_287, %mul3A_288 : vector<16xf32>
    %mul3A_290 = arith.mulf %get3A_277, %get3A_277 : vector<16xf32>
    %add3A_291 = arith.addf %add3A_289, %mul3A_290 : vector<16xf32>
    %eq3A_292 = arith.constant 4 : i32
    %eq3A_293 = vector.broadcast %eq3A_292 : i32 to vector<16xi32>
    %eq3A_294 = arith.cmpi eq, %iota3A, %eq3A_293 : vector<16xi32>
    %reduce_sum3A_295 = arith.constant true
    %reduce_sum3A_296 = vector.broadcast %reduce_sum3A_295 : i1 to vector<16xi1>
    %reduce_sum3A_297 = tpu.scan <sum>, %add3A_284 masked %reduce_sum3A_296 : vector<16xf32>, vector<16xi1> -> vector<16xf32>
    %reduce_sum3A_298 = vector.extract %reduce_sum3A_297[15] : f32 from vector<16xf32>
    %broadcast_in_dim3A_299 = vector.broadcast %reduce_sum3A_298 : f32 to vector<16xf32>
    %select_n3A_300 = arith.select %eq3A_294, %broadcast_in_dim3A_299, %select_n3A_263 : vector<16xi1>, vector<16xf32>
    %reduce_sum3A_301 = arith.constant true
    %reduce_sum3A_302 = vector.broadcast %reduce_sum3A_301 : i1 to vector<16xi1>
    %reduce_sum3A_303 = tpu.scan <sum>, %add3A_291 masked %reduce_sum3A_302 : vector<16xf32>, vector<16xi1> -> vector<16xf32>
    %reduce_sum3A_304 = vector.extract %reduce_sum3A_303[15] : f32 from vector<16xf32>
    %broadcast_in_dim3A_305 = vector.broadcast %reduce_sum3A_304 : f32 to vector<16xf32>
    %select_n3A_306 = arith.select %eq3A_294, %broadcast_in_dim3A_305, %select_n3A_269 : vector<16xi1>, vector<16xf32>
    %get3A_307 = arith.constant 320 : index
    %get3A_308 = tpu.vector_load %arg7[%get3A_307] {strides = array<i32>} : memref<448xf32, #tpu.memory_space<vmem>>, vector<16xf32>,
    %get3A_309 = arith.constant 336 : index
    %get3A_310 = tpu.vector_load %arg7[%get3A_309] {strides = array<i32>} : memref<448xf32, #tpu.memory_space<vmem>>, vector<16xf32>,
    %get3A_311 = arith.constant 352 : index
    %get3A_312 = tpu.vector_load %arg7[%get3A_311] {strides = array<i32>} : memref<448xf32, #tpu.memory_space<vmem>>, vector<16xf32>,
    %get3A_313 = arith.constant 368 : index
    %get3A_314 = tpu.vector_load %arg7[%get3A_313] {strides = array<i32>} : memref<448xf32, #tpu.memory_space<vmem>>, vector<16xf32>,
    %mul3A_315 = arith.mulf %get3A_308, %mul3A_112 : vector<16xf32>
    %mul3A_316 = arith.mulf %get3A_310, %mul3A_114 : vector<16xf32>
    %add3A_317 = arith.addf %mul3A_315, %mul3A_316 : vector<16xf32>
    %mul3A_318 = arith.mulf %get3A_312, %mul3A_116 : vector<16xf32>
    %add3A_319 = arith.addf %add3A_317, %mul3A_318 : vector<16xf32>
    %mul3A_320 = arith.mulf %get3A_314, %mul3A_118 : vector<16xf32>
    %add3A_321 = arith.addf %add3A_319, %mul3A_320 : vector<16xf32>
    %mul3A_322 = arith.mulf %get3A_308, %get3A_308 : vector<16xf32>
    %mul3A_323 = arith.mulf %get3A_310, %get3A_310 : vector<16xf32>
    %add3A_324 = arith.addf %mul3A_322, %mul3A_323 : vector<16xf32>
    %mul3A_325 = arith.mulf %get3A_312, %get3A_312 : vector<16xf32>
    %add3A_326 = arith.addf %add3A_324, %mul3A_325 : vector<16xf32>
    %mul3A_327 = arith.mulf %get3A_314, %get3A_314 : vector<16xf32>
    %add3A_328 = arith.addf %add3A_326, %mul3A_327 : vector<16xf32>
    %eq3A_329 = arith.constant 5 : i32
    %eq3A_330 = vector.broadcast %eq3A_329 : i32 to vector<16xi32>
    %eq3A_331 = arith.cmpi eq, %iota3A, %eq3A_330 : vector<16xi32>
    %reduce_sum3A_332 = arith.constant true
    %reduce_sum3A_333 = vector.broadcast %reduce_sum3A_332 : i1 to vector<16xi1>
    %reduce_sum3A_334 = tpu.scan <sum>, %add3A_321 masked %reduce_sum3A_333 : vector<16xf32>, vector<16xi1> -> vector<16xf32>
    %reduce_sum3A_335 = vector.extract %reduce_sum3A_334[15] : f32 from vector<16xf32>
    %broadcast_in_dim3A_336 = vector.broadcast %reduce_sum3A_335 : f32 to vector<16xf32>
    %select_n3A_337 = arith.select %eq3A_331, %broadcast_in_dim3A_336, %select_n3A_300 : vector<16xi1>, vector<16xf32>
    %reduce_sum3A_338 = arith.constant true
    %reduce_sum3A_339 = vector.broadcast %reduce_sum3A_338 : i1 to vector<16xi1>
    %reduce_sum3A_340 = tpu.scan <sum>, %add3A_328 masked %reduce_sum3A_339 : vector<16xf32>, vector<16xi1> -> vector<16xf32>
    %reduce_sum3A_341 = vector.extract %reduce_sum3A_340[15] : f32 from vector<16xf32>
    %broadcast_in_dim3A_342 = vector.broadcast %reduce_sum3A_341 : f32 to vector<16xf32>
    %select_n3A_343 = arith.select %eq3A_331, %broadcast_in_dim3A_342, %select_n3A_306 : vector<16xi1>, vector<16xf32>
    %get3A_344 = arith.constant 384 : index
    %get3A_345 = tpu.vector_load %arg7[%get3A_344] {strides = array<i32>} : memref<448xf32, #tpu.memory_space<vmem>>, vector<16xf32>,
    %get3A_346 = arith.constant 400 : index
    %get3A_347 = tpu.vector_load %arg7[%get3A_346] {strides = array<i32>} : memref<448xf32, #tpu.memory_space<vmem>>, vector<16xf32>,
    %get3A_348 = arith.constant 416 : index
    %get3A_349 = tpu.vector_load %arg7[%get3A_348] {strides = array<i32>} : memref<448xf32, #tpu.memory_space<vmem>>, vector<16xf32>,
    %get3A_350 = arith.constant 432 : index
    %get3A_351 = tpu.vector_load %arg7[%get3A_350] {strides = array<i32>} : memref<448xf32, #tpu.memory_space<vmem>>, vector<16xf32>,
    %mul3A_352 = arith.mulf %get3A_345, %mul3A_112 : vector<16xf32>
    %mul3A_353 = arith.mulf %get3A_347, %mul3A_114 : vector<16xf32>
    %add3A_354 = arith.addf %mul3A_352, %mul3A_353 : vector<16xf32>
    %mul3A_355 = arith.mulf %get3A_349, %mul3A_116 : vector<16xf32>
    %add3A_356 = arith.addf %add3A_354, %mul3A_355 : vector<16xf32>
    %mul3A_357 = arith.mulf %get3A_351, %mul3A_118 : vector<16xf32>
    %add3A_358 = arith.addf %add3A_356, %mul3A_357 : vector<16xf32>
    %mul3A_359 = arith.mulf %get3A_345, %get3A_345 : vector<16xf32>
    %mul3A_360 = arith.mulf %get3A_347, %get3A_347 : vector<16xf32>
    %add3A_361 = arith.addf %mul3A_359, %mul3A_360 : vector<16xf32>
    %mul3A_362 = arith.mulf %get3A_349, %get3A_349 : vector<16xf32>
    %add3A_363 = arith.addf %add3A_361, %mul3A_362 : vector<16xf32>
    %mul3A_364 = arith.mulf %get3A_351, %get3A_351 : vector<16xf32>
    %add3A_365 = arith.addf %add3A_363, %mul3A_364 : vector<16xf32>
    %eq3A_366 = arith.constant 6 : i32
    %eq3A_367 = vector.broadcast %eq3A_366 : i32 to vector<16xi32>
    %eq3A_368 = arith.cmpi eq, %iota3A, %eq3A_367 : vector<16xi32>
    %reduce_sum3A_369 = arith.constant true
    %reduce_sum3A_370 = vector.broadcast %reduce_sum3A_369 : i1 to vector<16xi1>
    %reduce_sum3A_371 = tpu.scan <sum>, %add3A_358 masked %reduce_sum3A_370 : vector<16xf32>, vector<16xi1> -> vector<16xf32>
    %reduce_sum3A_372 = vector.extract %reduce_sum3A_371[15] : f32 from vector<16xf32>
    %broadcast_in_dim3A_373 = vector.broadcast %reduce_sum3A_372 : f32 to vector<16xf32>
    %select_n3A_374 = arith.select %eq3A_368, %broadcast_in_dim3A_373, %select_n3A_337 : vector<16xi1>, vector<16xf32>
    %reduce_sum3A_375 = arith.constant true
    %reduce_sum3A_376 = vector.broadcast %reduce_sum3A_375 : i1 to vector<16xi1>
    %reduce_sum3A_377 = tpu.scan <sum>, %add3A_365 masked %reduce_sum3A_376 : vector<16xf32>, vector<16xi1> -> vector<16xf32>
    %reduce_sum3A_378 = vector.extract %reduce_sum3A_377[15] : f32 from vector<16xf32>
    %broadcast_in_dim3A_379 = vector.broadcast %reduce_sum3A_378 : f32 to vector<16xf32>
    %select_n3A_380 = arith.select %eq3A_368, %broadcast_in_dim3A_379, %select_n3A_343 : vector<16xi1>, vector<16xf32>
    %eq3A_381 = arith.constant 14 : i32
    %eq3A_382 = arith.cmpi eq, %arg1, %eq3A_381 : i32
    %eq3A_383 = arith.constant 15 : i32
    %eq3A_384 = arith.cmpi eq, %arg1, %eq3A_383 : i32
    %jit3A = arith.constant 0 : i32
    %jit3A_385 = arith.constant 7 : i32
    %select_n3A_386 = arith.select %eq3A_384, %jit3A, %jit3A_385 : i32
    %jit3A_387 = arith.constant 2 : i32
    %select_n3A_388 = arith.select %eq3A_382, %jit3A_387, %select_n3A_386 : i32
    %lt3A = vector.broadcast %select_n3A_388 : i32 to vector<16xi32>
    %lt3A_389 = arith.cmpi slt, %iota3A, %lt3A : vector<16xi32>
    %bitcast3A_390 = vector.bitcast %select_n3A_380 : vector<16xf32> to vector<16xi32>
    %shift_right_arithmetic3A_391 = arith.constant 1 : i32
    %shift_right_arithmetic3A_392 = vector.broadcast %shift_right_arithmetic3A_391 : i32 to vector<16xi32>
    %shift_right_arithmetic3A_393 = arith.shrsi %bitcast3A_390, %shift_right_arithmetic3A_392 : vector<16xi32>
    %sub3A_394 = arith.constant 1597463007 : i32
    %sub3A_395 = vector.broadcast %sub3A_394 : i32 to vector<16xi32>
    %sub3A_396 = arith.subi %sub3A_395, %shift_right_arithmetic3A_393 : vector<16xi32>
    %bitcast3A_397 = vector.bitcast %sub3A_396 : vector<16xi32> to vector<16xf32>
    %mul3A_398 = arith.constant 5.000000e-01 : f32
    %mul3A_399 = vector.broadcast %mul3A_398 : f32 to vector<16xf32>
    %mul3A_400 = arith.mulf %mul3A_399, %select_n3A_380 : vector<16xf32>
    %mul3A_401 = arith.mulf %mul3A_400, %bitcast3A_397 : vector<16xf32>
    %mul3A_402 = arith.mulf %mul3A_401, %bitcast3A_397 : vector<16xf32>
    %sub3A_403 = arith.constant 1.500000e+00 : f32
    %sub3A_404 = vector.broadcast %sub3A_403 : f32 to vector<16xf32>
    %sub3A_405 = arith.subf %sub3A_404, %mul3A_402 : vector<16xf32>
    %mul3A_406 = arith.mulf %bitcast3A_397, %sub3A_405 : vector<16xf32>
    %mul3A_407 = arith.constant 5.000000e-01 : f32
    %mul3A_408 = vector.broadcast %mul3A_407 : f32 to vector<16xf32>
    %mul3A_409 = arith.mulf %mul3A_408, %select_n3A_380 : vector<16xf32>
    %mul3A_410 = arith.mulf %mul3A_409, %mul3A_406 : vector<16xf32>
    %mul3A_411 = arith.mulf %mul3A_410, %mul3A_406 : vector<16xf32>
    %sub3A_412 = arith.constant 1.500000e+00 : f32
    %sub3A_413 = vector.broadcast %sub3A_412 : f32 to vector<16xf32>
    %sub3A_414 = arith.subf %sub3A_413, %mul3A_411 : vector<16xf32>
    %mul3A_415 = arith.mulf %mul3A_406, %sub3A_414 : vector<16xf32>
    %mul3A_416 = arith.constant 5.000000e-01 : f32
    %mul3A_417 = vector.broadcast %mul3A_416 : f32 to vector<16xf32>
    %mul3A_418 = arith.mulf %mul3A_417, %select_n3A_380 : vector<16xf32>
    %mul3A_419 = arith.mulf %mul3A_418, %mul3A_415 : vector<16xf32>
    %mul3A_420 = arith.mulf %mul3A_419, %mul3A_415 : vector<16xf32>
    %sub3A_421 = arith.constant 1.500000e+00 : f32
    %sub3A_422 = vector.broadcast %sub3A_421 : f32 to vector<16xf32>
    %sub3A_423 = arith.subf %sub3A_422, %mul3A_420 : vector<16xf32>
    %mul3A_424 = arith.mulf %mul3A_415, %sub3A_423 : vector<16xf32>
    %min3A_425 = arith.constant 1.000000e+08 : f32
    %min3A_426 = vector.broadcast %min3A_425 : f32 to vector<16xf32>
    %min3A_427 = arith.minimumf %mul3A_424, %min3A_426 : vector<16xf32>
    %mul3A_428 = arith.mulf %select_n3A_374, %min3A_427 : vector<16xf32>
    %jit3A_429 = arith.constant -3.400000e+38 : f32
    %broadcast_in_dim3A_430 = vector.broadcast %jit3A_429 : f32 to vector<16xf32>
    %select_n3A_431 = arith.select %lt3A_389, %mul3A_428, %broadcast_in_dim3A_430 : vector<16xi1>, vector<16xf32>
    %jit3A_432 = arith.constant 0.000000e+00 : f32
    %broadcast_in_dim3A_433 = vector.broadcast %jit3A_432 : f32 to vector<16xf32>
    %select_n3A_434 = arith.select %lt3A_389, %select_n3A_380, %broadcast_in_dim3A_433 : vector<16xi1>, vector<16xf32>
    %reduce_max3A_435 = arith.constant true
    %reduce_max3A_436 = vector.broadcast %reduce_max3A_435 : i1 to vector<16xi1>
    %reduce_max3A_437 = tpu.scan <max>, %select_n3A_431 masked %reduce_max3A_436 : vector<16xf32>, vector<16xi1> -> vector<16xf32>
    %reduce_max3A_438 = vector.extract %reduce_max3A_437[15] : f32 from vector<16xf32>
    %eq3A_439 = vector.broadcast %reduce_max3A_438 : f32 to vector<16xf32>
    %eq3A_440 = arith.cmpf oeq, %select_n3A_431, %eq3A_439 : vector<16xf32>
    %all_reduce_ffs3A = tpu.all_reduce %eq3A_440 {dim = 0 : i64, kind = #tpu.reduction_kind<find_first_set>} : vector<16xi1> -> vector<16xi32>
    %reduce_max3A_441 = arith.constant true
    %reduce_max3A_442 = vector.broadcast %reduce_max3A_441 : i1 to vector<16xi1>
    %reduce_max3A_443 = arith.constant -2147483648 : i32
    %reduce_max3A_444 = vector.broadcast %reduce_max3A_443 : i32 to vector<16xi32>
    %reduce_max3A_445 = arith.xori %all_reduce_ffs3A, %reduce_max3A_444 : vector<16xi32>
    %reduce_max3A_446 = tpu.scan <max>, %reduce_max3A_445 masked %reduce_max3A_442 : vector<16xi32>, vector<16xi1> -> vector<16xi32>
    %reduce_max3A_447 = arith.xori %reduce_max3A_446, %reduce_max3A_444 : vector<16xi32>
    %reduce_max3A_448 = vector.extract %reduce_max3A_447[15] : i32 from vector<16xi32>
    %add3A_449 = arith.addi %mul3A_0, %reduce_max3A_448 : i32
    %reduce_max3A_450 = arith.constant true
    %reduce_max3A_451 = vector.broadcast %reduce_max3A_450 : i1 to vector<16xi1>
    %reduce_max3A_452 = tpu.scan <max>, %select_n3A_434 masked %reduce_max3A_451 : vector<16xf32>, vector<16xi1> -> vector<16xf32>
    %reduce_max3A_453 = vector.extract %reduce_max3A_452[15] : f32 from vector<16xf32>
    %mul3A_454 = arith.constant 64 : i32
    %mul3A_455 = arith.muli %reduce_max3A_448, %mul3A_454 : i32
    %mul3A_456 = arith.constant 64 : i32
    %mul3A_457 = arith.muli %arg1, %mul3A_456 : i32
    "tpu.region"() ({
      %run_scoped3A = tpu.sem_alloc : memref<!tpu.dma_semaphore, #tpu.memory_space<semaphore_mem>>
      %dma_start3A = tpu.memref_slice %arg7[%mul3A_455] : memref<448xf32, #tpu.memory_space<vmem>> -> memref<64xf32, #tpu.memory_space<vmem>>
      %dma_start3A_500 = tpu.memref_slice %arg12[%mul3A_457] : memref<1024xf32, #tpu.memory_space<vmem_shared>> -> memref<64xf32, #tpu.memory_space<vmem_shared>>
      %dma_start3A_501 = tpu.memref_slice %arg12[%mul3A_457] : memref<1024xf32, #tpu.memory_space<vmem_shared>> -> memref<64xf32, #tpu.memory_space<vmem_shared>>
      %dma_start3A_502 = tpu.memref_slice %arg7[%mul3A_455] : memref<448xf32, #tpu.memory_space<vmem>> -> memref<64xf32, #tpu.memory_space<vmem>>
      tpu.enqueue_dma source(%dma_start3A_502 : memref<64xf32, #tpu.memory_space<vmem>>) target(%dma_start3A_501 : memref<64xf32, #tpu.memory_space<vmem_shared>>) target_semaphore(%run_scoped3A : memref<!tpu.dma_semaphore, #tpu.memory_space<semaphore_mem>>)
      %dma_wait3A = tpu.memref_slice %arg7[%mul3A_455] : memref<448xf32, #tpu.memory_space<vmem>> -> memref<64xf32, #tpu.memory_space<vmem>>
      %dma_wait3A_503 = tpu.memref_slice %arg12[%mul3A_457] : memref<1024xf32, #tpu.memory_space<vmem_shared>> -> memref<64xf32, #tpu.memory_space<vmem_shared>>
      %dma_wait3A_504 = tpu.memref_slice %arg12[%mul3A_457] : memref<1024xf32, #tpu.memory_space<vmem_shared>> -> memref<64xf32, #tpu.memory_space<vmem_shared>>
      %dma_wait3A_505 = tpu.memref_slice %arg7[%mul3A_455] : memref<448xf32, #tpu.memory_space<vmem>> -> memref<64xf32, #tpu.memory_space<vmem>>
      tpu.wait_dma2 semaphore(%run_scoped3A : memref<!tpu.dma_semaphore, #tpu.memory_space<semaphore_mem>>) src(%dma_wait3A_505 : memref<64xf32, #tpu.memory_space<vmem>>) dst(%dma_wait3A_504 : memref<64xf32, #tpu.memory_space<vmem_shared>>)
      tpu.yield
    }) : () -> ()
    %eq3A_458 = arith.constant 0 : i32
    %eq3A_459 = vector.broadcast %eq3A_458 : i32 to vector<16xi32>
    %eq3A_460 = arith.cmpi eq, %iota3A, %eq3A_459 : vector<16xi32>
    %jit3A_461 = arith.constant 0.000000e+00 : f32
    %broadcast_in_dim3A_462 = vector.broadcast %reduce_max3A_438 : f32 to vector<16xf32>
    %broadcast_in_dim3A_463 = vector.broadcast %jit3A_461 : f32 to vector<16xf32>
    %select_n3A_464 = arith.select %eq3A_460, %broadcast_in_dim3A_462, %broadcast_in_dim3A_463 : vector<16xi1>, vector<16xf32>
    %eq3A_465 = arith.constant 1 : i32
    %eq3A_466 = vector.broadcast %eq3A_465 : i32 to vector<16xi32>
    %eq3A_467 = arith.cmpi eq, %iota3A, %eq3A_466 : vector<16xi32>
    %convert_element_type3A_468 = arith.sitofp %add3A_449 : i32 to f32
    %jit3A_469 = arith.constant 0.000000e+00 : f32
    %broadcast_in_dim3A_470 = vector.broadcast %convert_element_type3A_468 : f32 to vector<16xf32>
    %broadcast_in_dim3A_471 = vector.broadcast %jit3A_469 : f32 to vector<16xf32>
    %select_n3A_472 = arith.select %eq3A_467, %broadcast_in_dim3A_470, %broadcast_in_dim3A_471 : vector<16xi1>, vector<16xf32>
    %add3A_473 = arith.addf %select_n3A_464, %select_n3A_472 : vector<16xf32>
    %eq3A_474 = arith.constant 2 : i32
    %eq3A_475 = vector.broadcast %eq3A_474 : i32 to vector<16xi32>
    %eq3A_476 = arith.cmpi eq, %iota3A, %eq3A_475 : vector<16xi32>
    %jit3A_477 = arith.constant 0.000000e+00 : f32
    %broadcast_in_dim3A_478 = vector.broadcast %reduce_max3A_453 : f32 to vector<16xf32>
    %broadcast_in_dim3A_479 = vector.broadcast %jit3A_477 : f32 to vector<16xf32>
    %select_n3A_480 = arith.select %eq3A_476, %broadcast_in_dim3A_478, %broadcast_in_dim3A_479 : vector<16xi1>, vector<16xf32>
    %add3A_481 = arith.addf %add3A_473, %select_n3A_480 : vector<16xf32>
    %swap3A = arith.constant 0 : index
    %swap3A_482 = tpu.vector_load %arg8[%swap3A] {strides = array<i32>} : memref<16xf32, #tpu.memory_space<vmem>>, vector<16xf32>,
    tpu.vector_store %arg8[%swap3A], %add3A_481 {strides = array<i32>} : memref<16xf32, #tpu.memory_space<vmem>>, vector<16xf32>,
    %mul3A_483 = arith.constant 16 : i32
    %mul3A_484 = arith.muli %arg1, %mul3A_483 : i32
    "tpu.region"() ({
      %run_scoped3A = tpu.sem_alloc : memref<!tpu.dma_semaphore, #tpu.memory_space<semaphore_mem>>
      %dma_start3A = tpu.memref_slice %arg11[%mul3A_484] : memref<256xf32, #tpu.memory_space<vmem_shared>> -> memref<16xf32, #tpu.memory_space<vmem_shared>>
      %dma_start3A_500 = tpu.memref_slice %arg11[%mul3A_484] : memref<256xf32, #tpu.memory_space<vmem_shared>> -> memref<16xf32, #tpu.memory_space<vmem_shared>>
      tpu.enqueue_dma source(%arg8 : memref<16xf32, #tpu.memory_space<vmem>>) target(%dma_start3A_500 : memref<16xf32, #tpu.memory_space<vmem_shared>>) target_semaphore(%run_scoped3A : memref<!tpu.dma_semaphore, #tpu.memory_space<semaphore_mem>>)
      %dma_wait3A = tpu.memref_slice %arg11[%mul3A_484] : memref<256xf32, #tpu.memory_space<vmem_shared>> -> memref<16xf32, #tpu.memory_space<vmem_shared>>
      %dma_wait3A_501 = tpu.memref_slice %arg11[%mul3A_484] : memref<256xf32, #tpu.memory_space<vmem_shared>> -> memref<16xf32, #tpu.memory_space<vmem_shared>>
      tpu.wait_dma2 semaphore(%run_scoped3A : memref<!tpu.dma_semaphore, #tpu.memory_space<semaphore_mem>>) src(%arg8 : memref<16xf32, #tpu.memory_space<vmem>>) dst(%dma_wait3A_501 : memref<16xf32, #tpu.memory_space<vmem_shared>>)
      tpu.yield
    }) : () -> ()
    %le3A_485 = arith.constant 13 : i32
    %le3A_486 = arith.cmpi sle, %arg1, %le3A_485 : i32
    %convert_element_type3A_487 = arith.extui %le3A_486 : i1 to i32
    %cond3A_488 = arith.constant 0 : i32
    %cond3A_489 = arith.cmpi ne, %convert_element_type3A_487, %cond3A_488 : i32
    scf.if %cond3A_489 {
      %mul3A_500 = arith.constant 64 : i32
      %mul3A_501 = arith.muli %mul3A_0, %mul3A_500 : i32
      "tpu.region"() ({
        %run_scoped3A = tpu.sem_alloc : memref<!tpu.dma_semaphore, #tpu.memory_space<semaphore_mem>>
        %dma_start3A = tpu.memref_slice %arg4[%mul3A_501] : memref<6400xf32, #tpu.memory_space<hbm>> -> memref<448xf32, #tpu.memory_space<hbm>>
        %dma_start3A_502 = tpu.memref_slice %arg4[%mul3A_501] : memref<6400xf32, #tpu.memory_space<hbm>> -> memref<448xf32, #tpu.memory_space<hbm>>
        tpu.enqueue_dma source(%arg7 : memref<448xf32, #tpu.memory_space<vmem>>) target(%dma_start3A_502 : memref<448xf32, #tpu.memory_space<hbm>>) target_semaphore(%run_scoped3A : memref<!tpu.dma_semaphore, #tpu.memory_space<semaphore_mem>>)
        %dma_wait3A = tpu.memref_slice %arg4[%mul3A_501] : memref<6400xf32, #tpu.memory_space<hbm>> -> memref<448xf32, #tpu.memory_space<hbm>>
        %dma_wait3A_503 = tpu.memref_slice %arg4[%mul3A_501] : memref<6400xf32, #tpu.memory_space<hbm>> -> memref<448xf32, #tpu.memory_space<hbm>>
        tpu.wait_dma2 semaphore(%run_scoped3A : memref<!tpu.dma_semaphore, #tpu.memory_space<semaphore_mem>>) src(%arg7 : memref<448xf32, #tpu.memory_space<vmem>>) dst(%dma_wait3A_503 : memref<448xf32, #tpu.memory_space<hbm>>)
        tpu.yield
      }) : () -> ()
    } else {
    }
    %eq3A_490 = arith.constant 14 : i32
    %eq3A_491 = arith.cmpi eq, %arg1, %eq3A_490 : i32
    %convert_element_type3A_492 = arith.extui %eq3A_491 : i1 to i32
    %cond3A_493 = arith.constant 0 : i32
    %cond3A_494 = arith.cmpi ne, %convert_element_type3A_492, %cond3A_493 : i32
    scf.if %cond3A_494 {
      "tpu.region"() ({
        %run_scoped3A = tpu.sem_alloc : memref<!tpu.dma_semaphore, #tpu.memory_space<semaphore_mem>>
        %dma_start3A = arith.constant 0 : i32
        %dma_start3A_500 = tpu.memref_slice %arg7[%dma_start3A] : memref<448xf32, #tpu.memory_space<vmem>> -> memref<128xf32, #tpu.memory_space<vmem>>
        %dma_start3A_501 = arith.constant 6272 : i32
        %dma_start3A_502 = tpu.memref_slice %arg4[%dma_start3A_501] : memref<6400xf32, #tpu.memory_space<hbm>> -> memref<128xf32, #tpu.memory_space<hbm>>
        %dma_start3A_503 = arith.constant 6272 : i32
        %dma_start3A_504 = tpu.memref_slice %arg4[%dma_start3A_503] : memref<6400xf32, #tpu.memory_space<hbm>> -> memref<128xf32, #tpu.memory_space<hbm>>
        %dma_start3A_505 = arith.constant 0 : i32
        %dma_start3A_506 = tpu.memref_slice %arg7[%dma_start3A_505] : memref<448xf32, #tpu.memory_space<vmem>> -> memref<128xf32, #tpu.memory_space<vmem>>
        tpu.enqueue_dma source(%dma_start3A_506 : memref<128xf32, #tpu.memory_space<vmem>>) target(%dma_start3A_504 : memref<128xf32, #tpu.memory_space<hbm>>) target_semaphore(%run_scoped3A : memref<!tpu.dma_semaphore, #tpu.memory_space<semaphore_mem>>)
        %dma_wait3A = arith.constant 0 : i32
        %dma_wait3A_507 = tpu.memref_slice %arg7[%dma_wait3A] : memref<448xf32, #tpu.memory_space<vmem>> -> memref<128xf32, #tpu.memory_space<vmem>>
        %dma_wait3A_508 = arith.constant 6272 : i32
        %dma_wait3A_509 = tpu.memref_slice %arg4[%dma_wait3A_508] : memref<6400xf32, #tpu.memory_space<hbm>> -> memref<128xf32, #tpu.memory_space<hbm>>
        %dma_wait3A_510 = arith.constant 6272 : i32
        %dma_wait3A_511 = tpu.memref_slice %arg4[%dma_wait3A_510] : memref<6400xf32, #tpu.memory_space<hbm>> -> memref<128xf32, #tpu.memory_space<hbm>>
        %dma_wait3A_512 = arith.constant 0 : i32
        %dma_wait3A_513 = tpu.memref_slice %arg7[%dma_wait3A_512] : memref<448xf32, #tpu.memory_space<vmem>> -> memref<128xf32, #tpu.memory_space<vmem>>
        tpu.wait_dma2 semaphore(%run_scoped3A : memref<!tpu.dma_semaphore, #tpu.memory_space<semaphore_mem>>) src(%dma_wait3A_513 : memref<128xf32, #tpu.memory_space<vmem>>) dst(%dma_wait3A_511 : memref<128xf32, #tpu.memory_space<hbm>>)
        tpu.yield
      }) : () -> ()
    } else {
    }
    %barrier3A = arith.constant 0 : index
    tpu.barrier barrier_id(%barrier3A)
    %eq3A_495 = arith.constant 0 : i32
    %eq3A_496 = arith.cmpi eq, %arg1, %eq3A_495 : i32
    %convert_element_type3A_497 = arith.extui %eq3A_496 : i1 to i32
    %cond3A_498 = arith.constant 0 : i32
    %cond3A_499 = arith.cmpi ne, %convert_element_type3A_497, %cond3A_498 : i32
    scf.if %cond3A_499 {
      "tpu.region"() ({
        %run_scoped3A = tpu.sem_alloc : memref<!tpu.dma_semaphore, #tpu.memory_space<semaphore_mem>>
        tpu.enqueue_dma source(%arg11 : memref<256xf32, #tpu.memory_space<vmem_shared>>) target(%arg9 : memref<256xf32, #tpu.memory_space<vmem>>) target_semaphore(%run_scoped3A : memref<!tpu.dma_semaphore, #tpu.memory_space<semaphore_mem>>)
        tpu.wait_dma2 semaphore(%run_scoped3A : memref<!tpu.dma_semaphore, #tpu.memory_space<semaphore_mem>>) src(%arg11 : memref<256xf32, #tpu.memory_space<vmem_shared>>) dst(%arg9 : memref<256xf32, #tpu.memory_space<vmem>>)
        tpu.yield
      }) : () -> ()
      %mul3A_500 = arith.constant 16 : i32
      %mul3A_501 = vector.broadcast %mul3A_500 : i32 to vector<16xi32>
      %mul3A_502 = arith.muli %iota3A, %mul3A_501 : vector<16xi32>
      %gather3A = tpu.vector_load_idx %arg9[%mul3A_502] : memref<256xf32, #tpu.memory_space<vmem>>[vector<16xi32>], vector<16xf32>,
      %mul3A_503 = arith.constant 16 : i32
      %mul3A_504 = vector.broadcast %mul3A_503 : i32 to vector<16xi32>
      %mul3A_505 = arith.muli %iota3A, %mul3A_504 : vector<16xi32>
      %add3A_506 = arith.constant 1 : i32
      %add3A_507 = vector.broadcast %add3A_506 : i32 to vector<16xi32>
      %add3A_508 = arith.addi %mul3A_505, %add3A_507 : vector<16xi32>
      %gather3A_509 = tpu.vector_load_idx %arg9[%add3A_508] : memref<256xf32, #tpu.memory_space<vmem>>[vector<16xi32>], vector<16xf32>,
      %mul3A_510 = arith.constant 16 : i32
      %mul3A_511 = vector.broadcast %mul3A_510 : i32 to vector<16xi32>
      %mul3A_512 = arith.muli %iota3A, %mul3A_511 : vector<16xi32>
      %add3A_513 = arith.constant 2 : i32
      %add3A_514 = vector.broadcast %add3A_513 : i32 to vector<16xi32>
      %add3A_515 = arith.addi %mul3A_512, %add3A_514 : vector<16xi32>
      %gather3A_516 = tpu.vector_load_idx %arg9[%add3A_515] : memref<256xf32, #tpu.memory_space<vmem>>[vector<16xi32>], vector<16xf32>,
      %reduce_max3A_517 = arith.constant true
      %reduce_max3A_518 = vector.broadcast %reduce_max3A_517 : i1 to vector<16xi1>
      %reduce_max3A_519 = tpu.scan <max>, %gather3A masked %reduce_max3A_518 : vector<16xf32>, vector<16xi1> -> vector<16xf32>
      %reduce_max3A_520 = vector.extract %reduce_max3A_519[15] : f32 from vector<16xf32>
      %eq3A_521 = vector.broadcast %reduce_max3A_520 : f32 to vector<16xf32>
      %eq3A_522 = arith.cmpf oeq, %gather3A, %eq3A_521 : vector<16xf32>
      %all_reduce_ffs3A_523 = tpu.all_reduce %eq3A_522 {dim = 0 : i64, kind = #tpu.reduction_kind<find_first_set>} : vector<16xi1> -> vector<16xi32>
      %reduce_max3A_524 = arith.constant true
      %reduce_max3A_525 = vector.broadcast %reduce_max3A_524 : i1 to vector<16xi1>
      %reduce_max3A_526 = arith.constant -2147483648 : i32
      %reduce_max3A_527 = vector.broadcast %reduce_max3A_526 : i32 to vector<16xi32>
      %reduce_max3A_528 = arith.xori %all_reduce_ffs3A_523, %reduce_max3A_527 : vector<16xi32>
      %reduce_max3A_529 = tpu.scan <max>, %reduce_max3A_528 masked %reduce_max3A_525 : vector<16xi32>, vector<16xi1> -> vector<16xi32>
      %reduce_max3A_530 = arith.xori %reduce_max3A_529, %reduce_max3A_527 : vector<16xi32>
      %reduce_max3A_531 = vector.extract %reduce_max3A_530[15] : i32 from vector<16xi32>
      %eq3A_532 = vector.broadcast %reduce_max3A_531 : i32 to vector<16xi32>
      %eq3A_533 = arith.cmpi eq, %iota3A, %eq3A_532 : vector<16xi32>
      %jit3A_534 = arith.constant 0.000000e+00 : f32
      %broadcast_in_dim3A_535 = vector.broadcast %jit3A_534 : f32 to vector<16xf32>
      %select_n3A_536 = arith.select %eq3A_533, %gather3A_509, %broadcast_in_dim3A_535 : vector<16xi1>, vector<16xf32>
      %reduce_sum3A_537 = arith.constant true
      %reduce_sum3A_538 = vector.broadcast %reduce_sum3A_537 : i1 to vector<16xi1>
      %reduce_sum3A_539 = tpu.scan <sum>, %select_n3A_536 masked %reduce_sum3A_538 : vector<16xf32>, vector<16xi1> -> vector<16xf32>
      %reduce_sum3A_540 = vector.extract %reduce_sum3A_539[15] : f32 from vector<16xf32>
      %convert_element_type3A_541 = arith.fptosi %reduce_sum3A_540 : f32 to i32
      %reduce_max3A_542 = arith.constant true
      %reduce_max3A_543 = vector.broadcast %reduce_max3A_542 : i1 to vector<16xi1>
      %reduce_max3A_544 = tpu.scan <max>, %gather3A_516 masked %reduce_max3A_543 : vector<16xf32>, vector<16xi1> -> vector<16xf32>
      %reduce_max3A_545 = vector.extract %reduce_max3A_544[15] : f32 from vector<16xf32>
      %get3A_546 = arith.constant 64 : index
      %get3A_547 = tpu.vector_load %arg6[%get3A_546] {strides = array<i32>} : memref<192xf32, #tpu.memory_space<vmem>>, vector<16xf32>,
      %reduce_max3A_548 = arith.constant true
      %reduce_max3A_549 = vector.broadcast %reduce_max3A_548 : i1 to vector<16xi1>
      %reduce_max3A_550 = tpu.scan <max>, %get3A_547 masked %reduce_max3A_549 : vector<16xf32>, vector<16xi1> -> vector<16xf32>
      %reduce_max3A_551 = vector.extract %reduce_max3A_550[15] : f32 from vector<16xf32>
      %get3A_552 = arith.constant 80 : index
      %get3A_553 = tpu.vector_load %arg6[%get3A_552] {strides = array<i32>} : memref<192xf32, #tpu.memory_space<vmem>>, vector<16xf32>,
      %reduce_min3A = arith.constant true
      %reduce_min3A_554 = vector.broadcast %reduce_min3A : i1 to vector<16xi1>
      %reduce_min3A_555 = tpu.scan <min>, %get3A_553 masked %reduce_min3A_554 : vector<16xf32>, vector<16xi1> -> vector<16xf32>
      %reduce_min3A_556 = vector.extract %reduce_min3A_555[15] : f32 from vector<16xf32>
      %eq3A_557 = vector.broadcast %reduce_min3A_556 : f32 to vector<16xf32>
      %eq3A_558 = arith.cmpf oeq, %get3A_553, %eq3A_557 : vector<16xf32>
      %all_reduce_ffs3A_559 = tpu.all_reduce %eq3A_558 {dim = 0 : i64, kind = #tpu.reduction_kind<find_first_set>} : vector<16xi1> -> vector<16xi32>
      %reduce_max3A_560 = arith.constant true
      %reduce_max3A_561 = vector.broadcast %reduce_max3A_560 : i1 to vector<16xi1>
      %reduce_max3A_562 = arith.constant -2147483648 : i32
      %reduce_max3A_563 = vector.broadcast %reduce_max3A_562 : i32 to vector<16xi32>
      %reduce_max3A_564 = arith.xori %all_reduce_ffs3A_559, %reduce_max3A_563 : vector<16xi32>
      %reduce_max3A_565 = tpu.scan <max>, %reduce_max3A_564 masked %reduce_max3A_561 : vector<16xi32>, vector<16xi1> -> vector<16xi32>
      %reduce_max3A_566 = arith.xori %reduce_max3A_565, %reduce_max3A_563 : vector<16xi32>
      %reduce_max3A_567 = vector.extract %reduce_max3A_566[15] : i32 from vector<16xi32>
      %lt3A_568 = arith.constant 3.400000e+38 : f32
      %lt3A_569 = arith.cmpf olt, %reduce_min3A_556, %lt3A_568 : f32
      %add3A_570 = arith.constant 0 : i32
      %add3A_571 = arith.addi %add3A_570, %reduce_max3A_567 : i32
      %jit3A_572 = arith.constant 0 : i32
      %select_n3A_573 = arith.select %lt3A_569, %add3A_571, %jit3A_572 : i32
      %min3A_574 = arith.constant 3.400000e+38 : f32
      %min3A_575 = arith.minimumf %min3A_574, %reduce_min3A_556 : f32
      %get3A_576 = arith.constant 96 : index
      %get3A_577 = tpu.vector_load %arg6[%get3A_576] {strides = array<i32>} : memref<192xf32, #tpu.memory_space<vmem>>, vector<16xf32>,
      %reduce_min3A_578 = arith.constant true
      %reduce_min3A_579 = vector.broadcast %reduce_min3A_578 : i1 to vector<16xi1>
      %reduce_min3A_580 = tpu.scan <min>, %get3A_577 masked %reduce_min3A_579 : vector<16xf32>, vector<16xi1> -> vector<16xf32>
      %reduce_min3A_581 = vector.extract %reduce_min3A_580[15] : f32 from vector<16xf32>
      %eq3A_582 = vector.broadcast %reduce_min3A_581 : f32 to vector<16xf32>
      %eq3A_583 = arith.cmpf oeq, %get3A_577, %eq3A_582 : vector<16xf32>
      %all_reduce_ffs3A_584 = tpu.all_reduce %eq3A_583 {dim = 0 : i64, kind = #tpu.reduction_kind<find_first_set>} : vector<16xi1> -> vector<16xi32>
      %reduce_max3A_585 = arith.constant true
      %reduce_max3A_586 = vector.broadcast %reduce_max3A_585 : i1 to vector<16xi1>
      %reduce_max3A_587 = arith.constant -2147483648 : i32
      %reduce_max3A_588 = vector.broadcast %reduce_max3A_587 : i32 to vector<16xi32>
      %reduce_max3A_589 = arith.xori %all_reduce_ffs3A_584, %reduce_max3A_588 : vector<16xi32>
      %reduce_max3A_590 = tpu.scan <max>, %reduce_max3A_589 masked %reduce_max3A_586 : vector<16xi32>, vector<16xi1> -> vector<16xi32>
      %reduce_max3A_591 = arith.xori %reduce_max3A_590, %reduce_max3A_588 : vector<16xi32>
      %reduce_max3A_592 = vector.extract %reduce_max3A_591[15] : i32 from vector<16xi32>
      %lt3A_593 = arith.cmpf olt, %reduce_min3A_581, %min3A_575 : f32
      %add3A_594 = arith.constant 16 : i32
      %add3A_595 = arith.addi %add3A_594, %reduce_max3A_592 : i32
      %select_n3A_596 = arith.select %lt3A_593, %add3A_595, %select_n3A_573 : i32
      %min3A_597 = arith.minimumf %min3A_575, %reduce_min3A_581 : f32
      %get3A_598 = arith.constant 112 : index
      %get3A_599 = tpu.vector_load %arg6[%get3A_598] {strides = array<i32>} : memref<192xf32, #tpu.memory_space<vmem>>, vector<16xf32>,
      %reduce_min3A_600 = arith.constant true
      %reduce_min3A_601 = vector.broadcast %reduce_min3A_600 : i1 to vector<16xi1>
      %reduce_min3A_602 = tpu.scan <min>, %get3A_599 masked %reduce_min3A_601 : vector<16xf32>, vector<16xi1> -> vector<16xf32>
      %reduce_min3A_603 = vector.extract %reduce_min3A_602[15] : f32 from vector<16xf32>
      %eq3A_604 = vector.broadcast %reduce_min3A_603 : f32 to vector<16xf32>
      %eq3A_605 = arith.cmpf oeq, %get3A_599, %eq3A_604 : vector<16xf32>
      %all_reduce_ffs3A_606 = tpu.all_reduce %eq3A_605 {dim = 0 : i64, kind = #tpu.reduction_kind<find_first_set>} : vector<16xi1> -> vector<16xi32>
      %reduce_max3A_607 = arith.constant true
      %reduce_max3A_608 = vector.broadcast %reduce_max3A_607 : i1 to vector<16xi1>
      %reduce_max3A_609 = arith.constant -2147483648 : i32
      %reduce_max3A_610 = vector.broadcast %reduce_max3A_609 : i32 to vector<16xi32>
      %reduce_max3A_611 = arith.xori %all_reduce_ffs3A_606, %reduce_max3A_610 : vector<16xi32>
      %reduce_max3A_612 = tpu.scan <max>, %reduce_max3A_611 masked %reduce_max3A_608 : vector<16xi32>, vector<16xi1> -> vector<16xi32>
      %reduce_max3A_613 = arith.xori %reduce_max3A_612, %reduce_max3A_610 : vector<16xi32>
      %reduce_max3A_614 = vector.extract %reduce_max3A_613[15] : i32 from vector<16xi32>
      %lt3A_615 = arith.cmpf olt, %reduce_min3A_603, %min3A_597 : f32
      %add3A_616 = arith.constant 32 : i32
      %add3A_617 = arith.addi %add3A_616, %reduce_max3A_614 : i32
      %select_n3A_618 = arith.select %lt3A_615, %add3A_617, %select_n3A_596 : i32
      %min3A_619 = arith.minimumf %min3A_597, %reduce_min3A_603 : f32
      %get3A_620 = arith.constant 128 : index
      %get3A_621 = tpu.vector_load %arg6[%get3A_620] {strides = array<i32>} : memref<192xf32, #tpu.memory_space<vmem>>, vector<16xf32>,
      %reduce_min3A_622 = arith.constant true
      %reduce_min3A_623 = vector.broadcast %reduce_min3A_622 : i1 to vector<16xi1>
      %reduce_min3A_624 = tpu.scan <min>, %get3A_621 masked %reduce_min3A_623 : vector<16xf32>, vector<16xi1> -> vector<16xf32>
      %reduce_min3A_625 = vector.extract %reduce_min3A_624[15] : f32 from vector<16xf32>
      %eq3A_626 = vector.broadcast %reduce_min3A_625 : f32 to vector<16xf32>
      %eq3A_627 = arith.cmpf oeq, %get3A_621, %eq3A_626 : vector<16xf32>
      %all_reduce_ffs3A_628 = tpu.all_reduce %eq3A_627 {dim = 0 : i64, kind = #tpu.reduction_kind<find_first_set>} : vector<16xi1> -> vector<16xi32>
      %reduce_max3A_629 = arith.constant true
      %reduce_max3A_630 = vector.broadcast %reduce_max3A_629 : i1 to vector<16xi1>
      %reduce_max3A_631 = arith.constant -2147483648 : i32
      %reduce_max3A_632 = vector.broadcast %reduce_max3A_631 : i32 to vector<16xi32>
      %reduce_max3A_633 = arith.xori %all_reduce_ffs3A_628, %reduce_max3A_632 : vector<16xi32>
      %reduce_max3A_634 = tpu.scan <max>, %reduce_max3A_633 masked %reduce_max3A_630 : vector<16xi32>, vector<16xi1> -> vector<16xi32>
      %reduce_max3A_635 = arith.xori %reduce_max3A_634, %reduce_max3A_632 : vector<16xi32>
      %reduce_max3A_636 = vector.extract %reduce_max3A_635[15] : i32 from vector<16xi32>
      %lt3A_637 = arith.cmpf olt, %reduce_min3A_625, %min3A_619 : f32
      %add3A_638 = arith.constant 48 : i32
      %add3A_639 = arith.addi %add3A_638, %reduce_max3A_636 : i32
      %select_n3A_640 = arith.select %lt3A_637, %add3A_639, %select_n3A_618 : i32
      %min3A_641 = arith.minimumf %min3A_619, %reduce_min3A_625 : f32
      %get3A_642 = arith.constant 144 : index
      %get3A_643 = tpu.vector_load %arg6[%get3A_642] {strides = array<i32>} : memref<192xf32, #tpu.memory_space<vmem>>, vector<16xf32>,
      %reduce_min3A_644 = arith.constant true
      %reduce_min3A_645 = vector.broadcast %reduce_min3A_644 : i1 to vector<16xi1>
      %reduce_min3A_646 = tpu.scan <min>, %get3A_643 masked %reduce_min3A_645 : vector<16xf32>, vector<16xi1> -> vector<16xf32>
      %reduce_min3A_647 = vector.extract %reduce_min3A_646[15] : f32 from vector<16xf32>
      %eq3A_648 = vector.broadcast %reduce_min3A_647 : f32 to vector<16xf32>
      %eq3A_649 = arith.cmpf oeq, %get3A_643, %eq3A_648 : vector<16xf32>
      %all_reduce_ffs3A_650 = tpu.all_reduce %eq3A_649 {dim = 0 : i64, kind = #tpu.reduction_kind<find_first_set>} : vector<16xi1> -> vector<16xi32>
      %reduce_max3A_651 = arith.constant true
      %reduce_max3A_652 = vector.broadcast %reduce_max3A_651 : i1 to vector<16xi1>
      %reduce_max3A_653 = arith.constant -2147483648 : i32
      %reduce_max3A_654 = vector.broadcast %reduce_max3A_653 : i32 to vector<16xi32>
      %reduce_max3A_655 = arith.xori %all_reduce_ffs3A_650, %reduce_max3A_654 : vector<16xi32>
      %reduce_max3A_656 = tpu.scan <max>, %reduce_max3A_655 masked %reduce_max3A_652 : vector<16xi32>, vector<16xi1> -> vector<16xi32>
      %reduce_max3A_657 = arith.xori %reduce_max3A_656, %reduce_max3A_654 : vector<16xi32>
      %reduce_max3A_658 = vector.extract %reduce_max3A_657[15] : i32 from vector<16xi32>
      %lt3A_659 = arith.cmpf olt, %reduce_min3A_647, %min3A_641 : f32
      %add3A_660 = arith.constant 64 : i32
      %add3A_661 = arith.addi %add3A_660, %reduce_max3A_658 : i32
      %select_n3A_662 = arith.select %lt3A_659, %add3A_661, %select_n3A_640 : i32
      %min3A_663 = arith.minimumf %min3A_641, %reduce_min3A_647 : f32
      %get3A_664 = arith.constant 160 : index
      %get3A_665 = tpu.vector_load %arg6[%get3A_664] {strides = array<i32>} : memref<192xf32, #tpu.memory_space<vmem>>, vector<16xf32>,
      %reduce_min3A_666 = arith.constant true
      %reduce_min3A_667 = vector.broadcast %reduce_min3A_666 : i1 to vector<16xi1>
      %reduce_min3A_668 = tpu.scan <min>, %get3A_665 masked %reduce_min3A_667 : vector<16xf32>, vector<16xi1> -> vector<16xf32>
      %reduce_min3A_669 = vector.extract %reduce_min3A_668[15] : f32 from vector<16xf32>
      %eq3A_670 = vector.broadcast %reduce_min3A_669 : f32 to vector<16xf32>
      %eq3A_671 = arith.cmpf oeq, %get3A_665, %eq3A_670 : vector<16xf32>
      %all_reduce_ffs3A_672 = tpu.all_reduce %eq3A_671 {dim = 0 : i64, kind = #tpu.reduction_kind<find_first_set>} : vector<16xi1> -> vector<16xi32>
      %reduce_max3A_673 = arith.constant true
      %reduce_max3A_674 = vector.broadcast %reduce_max3A_673 : i1 to vector<16xi1>
      %reduce_max3A_675 = arith.constant -2147483648 : i32
      %reduce_max3A_676 = vector.broadcast %reduce_max3A_675 : i32 to vector<16xi32>
      %reduce_max3A_677 = arith.xori %all_reduce_ffs3A_672, %reduce_max3A_676 : vector<16xi32>
      %reduce_max3A_678 = tpu.scan <max>, %reduce_max3A_677 masked %reduce_max3A_674 : vector<16xi32>, vector<16xi1> -> vector<16xi32>
      %reduce_max3A_679 = arith.xori %reduce_max3A_678, %reduce_max3A_676 : vector<16xi32>
      %reduce_max3A_680 = vector.extract %reduce_max3A_679[15] : i32 from vector<16xi32>
      %lt3A_681 = arith.cmpf olt, %reduce_min3A_669, %min3A_663 : f32
      %add3A_682 = arith.constant 80 : i32
      %add3A_683 = arith.addi %add3A_682, %reduce_max3A_680 : i32
      %select_n3A_684 = arith.select %lt3A_681, %add3A_683, %select_n3A_662 : i32
      %min3A_685 = arith.minimumf %min3A_663, %reduce_min3A_669 : f32
      %get3A_686 = arith.constant 176 : index
      %get3A_687 = tpu.vector_load %arg6[%get3A_686] {strides = array<i32>} : memref<192xf32, #tpu.memory_space<vmem>>, vector<16xf32>,
      %reduce_min3A_688 = arith.constant true
      %reduce_min3A_689 = vector.broadcast %reduce_min3A_688 : i1 to vector<16xi1>
      %reduce_min3A_690 = tpu.scan <min>, %get3A_687 masked %reduce_min3A_689 : vector<16xf32>, vector<16xi1> -> vector<16xf32>
      %reduce_min3A_691 = vector.extract %reduce_min3A_690[15] : f32 from vector<16xf32>
      %eq3A_692 = vector.broadcast %reduce_min3A_691 : f32 to vector<16xf32>
      %eq3A_693 = arith.cmpf oeq, %get3A_687, %eq3A_692 : vector<16xf32>
      %all_reduce_ffs3A_694 = tpu.all_reduce %eq3A_693 {dim = 0 : i64, kind = #tpu.reduction_kind<find_first_set>} : vector<16xi1> -> vector<16xi32>
      %reduce_max3A_695 = arith.constant true
      %reduce_max3A_696 = vector.broadcast %reduce_max3A_695 : i1 to vector<16xi1>
      %reduce_max3A_697 = arith.constant -2147483648 : i32
      %reduce_max3A_698 = vector.broadcast %reduce_max3A_697 : i32 to vector<16xi32>
      %reduce_max3A_699 = arith.xori %all_reduce_ffs3A_694, %reduce_max3A_698 : vector<16xi32>
      %reduce_max3A_700 = tpu.scan <max>, %reduce_max3A_699 masked %reduce_max3A_696 : vector<16xi32>, vector<16xi1> -> vector<16xi32>
      %reduce_max3A_701 = arith.xori %reduce_max3A_700, %reduce_max3A_698 : vector<16xi32>
      %reduce_max3A_702 = vector.extract %reduce_max3A_701[15] : i32 from vector<16xi32>
      %lt3A_703 = arith.cmpf olt, %reduce_min3A_691, %min3A_685 : f32
      %add3A_704 = arith.constant 96 : i32
      %add3A_705 = arith.addi %add3A_704, %reduce_max3A_702 : i32
      %select_n3A_706 = arith.select %lt3A_703, %add3A_705, %select_n3A_684 : i32
      %min3A_707 = arith.minimumf %min3A_685, %reduce_min3A_691 : f32
      %lt3A_708 = arith.constant 9.99999996E-13 : f32
      %lt3A_709 = arith.cmpf olt, %reduce_max3A_545, %lt3A_708 : f32
      %not3A = arith.constant true
      %not3A_710 = arith.xori %lt3A_709, %not3A : i1
      %gt3A = arith.constant 8.500000e-01 : f32
      %gt3A_711 = arith.cmpf ogt, %reduce_max3A_520, %gt3A : f32
      %and3A = arith.andi %not3A_710, %gt3A_711 : i1
      %select_n3A_712 = arith.select %and3A, %convert_element_type3A_541, %select_n3A_706 : i32
      %gt3A_713 = arith.constant 4.500000e-01 : f32
      %gt3A_714 = arith.cmpf ogt, %reduce_max3A_551, %gt3A_713 : f32
      %mul3A_715 = arith.constant 64 : i32
      %mul3A_716 = arith.muli %reduce_max3A_531, %mul3A_715 : i32
      "tpu.region"() ({
        %run_scoped3A = tpu.sem_alloc : memref<!tpu.dma_semaphore, #tpu.memory_space<semaphore_mem>>
        %dma_start3A_935 = tpu.memref_slice %arg12[%mul3A_716] : memref<1024xf32, #tpu.memory_space<vmem_shared>> -> memref<64xf32, #tpu.memory_space<vmem_shared>>
        %dma_start3A_936 = tpu.memref_slice %arg12[%mul3A_716] : memref<1024xf32, #tpu.memory_space<vmem_shared>> -> memref<64xf32, #tpu.memory_space<vmem_shared>>
        tpu.enqueue_dma source(%dma_start3A_936 : memref<64xf32, #tpu.memory_space<vmem_shared>>) target(%arg10 : memref<64xf32, #tpu.memory_space<vmem>>) target_semaphore(%run_scoped3A : memref<!tpu.dma_semaphore, #tpu.memory_space<semaphore_mem>>)
        %dma_wait3A_937 = tpu.memref_slice %arg12[%mul3A_716] : memref<1024xf32, #tpu.memory_space<vmem_shared>> -> memref<64xf32, #tpu.memory_space<vmem_shared>>
        %dma_wait3A_938 = tpu.memref_slice %arg12[%mul3A_716] : memref<1024xf32, #tpu.memory_space<vmem_shared>> -> memref<64xf32, #tpu.memory_space<vmem_shared>>
        tpu.wait_dma2 semaphore(%run_scoped3A : memref<!tpu.dma_semaphore, #tpu.memory_space<semaphore_mem>>) src(%dma_wait3A_938 : memref<64xf32, #tpu.memory_space<vmem_shared>>) dst(%arg10 : memref<64xf32, #tpu.memory_space<vmem>>)
        tpu.yield
      }) : () -> ()
      %get3A_717 = arith.constant 0 : index
      %get3A_718 = tpu.vector_load %arg10[%get3A_717] {strides = array<i32>} : memref<64xf32, #tpu.memory_space<vmem>>, vector<16xf32>,
      %get3A_719 = arith.constant 16 : index
      %get3A_720 = tpu.vector_load %arg10[%get3A_719] {strides = array<i32>} : memref<64xf32, #tpu.memory_space<vmem>>, vector<16xf32>,
      %get3A_721 = arith.constant 32 : index
      %get3A_722 = tpu.vector_load %arg10[%get3A_721] {strides = array<i32>} : memref<64xf32, #tpu.memory_space<vmem>>, vector<16xf32>,
      %get3A_723 = arith.constant 48 : index
      %get3A_724 = tpu.vector_load %arg10[%get3A_723] {strides = array<i32>} : memref<64xf32, #tpu.memory_space<vmem>>, vector<16xf32>,
      %add3A_725 = arith.constant 80 : i32
      %add3A_726 = arith.addi %add3A_725, %convert_element_type3A_541 : i32
      %broadcast_in_dim3A_727 = vector.broadcast %add3A_726 : i32 to vector<16xi32>
      %gather3A_728 = tpu.vector_load_idx %arg6[%broadcast_in_dim3A_727] : memref<192xf32, #tpu.memory_space<vmem>>[vector<16xi32>], vector<16xf32>,
      %reduce_max3A_729 = arith.constant true
      %reduce_max3A_730 = vector.broadcast %reduce_max3A_729 : i1 to vector<16xi1>
      %reduce_max3A_731 = tpu.scan <max>, %gather3A_728 masked %reduce_max3A_730 : vector<16xf32>, vector<16xi1> -> vector<16xf32>
      %reduce_max3A_732 = vector.extract %reduce_max3A_731[15] : f32 from vector<16xf32>
      %mul3A_733 = arith.constant 5.000000e-01 : f32
      %mul3A_734 = arith.mulf %reduce_max3A_551, %mul3A_733 : f32
      %add3A_735 = arith.addf %reduce_max3A_732, %mul3A_734 : f32
      %min3A_736 = arith.constant 1.000000e+00 : f32
      %min3A_737 = arith.minimumf %add3A_735, %min3A_736 : f32
      %select_n3A_738 = arith.select %and3A, %min3A_737, %reduce_max3A_551 : f32
      %mul3A_739 = arith.constant 8.000000e-01 : f32
      %mul3A_740 = vector.broadcast %mul3A_739 : f32 to vector<16xf32>
      %mul3A_741 = arith.mulf %mul3A_740, %get3A_718 : vector<16xf32>
      %mul3A_742 = arith.constant 2.000000e-01 : f32
      %mul3A_743 = vector.broadcast %mul3A_742 : f32 to vector<16xf32>
      %mul3A_744 = arith.mulf %mul3A_743, %mul3A_60 : vector<16xf32>
      %add3A_745 = arith.addf %mul3A_741, %mul3A_744 : vector<16xf32>
      %mul3A_746 = arith.constant 8.000000e-01 : f32
      %mul3A_747 = vector.broadcast %mul3A_746 : f32 to vector<16xf32>
      %mul3A_748 = arith.mulf %mul3A_747, %get3A_720 : vector<16xf32>
      %mul3A_749 = arith.constant 2.000000e-01 : f32
      %mul3A_750 = vector.broadcast %mul3A_749 : f32 to vector<16xf32>
      %mul3A_751 = arith.mulf %mul3A_750, %mul3A_62 : vector<16xf32>
      %add3A_752 = arith.addf %mul3A_748, %mul3A_751 : vector<16xf32>
      %mul3A_753 = arith.constant 8.000000e-01 : f32
      %mul3A_754 = vector.broadcast %mul3A_753 : f32 to vector<16xf32>
      %mul3A_755 = arith.mulf %mul3A_754, %get3A_722 : vector<16xf32>
      %mul3A_756 = arith.constant 2.000000e-01 : f32
      %mul3A_757 = vector.broadcast %mul3A_756 : f32 to vector<16xf32>
      %mul3A_758 = arith.mulf %mul3A_757, %mul3A_64 : vector<16xf32>
      %add3A_759 = arith.addf %mul3A_755, %mul3A_758 : vector<16xf32>
      %mul3A_760 = arith.constant 8.000000e-01 : f32
      %mul3A_761 = vector.broadcast %mul3A_760 : f32 to vector<16xf32>
      %mul3A_762 = arith.mulf %mul3A_761, %get3A_724 : vector<16xf32>
      %mul3A_763 = arith.constant 2.000000e-01 : f32
      %mul3A_764 = vector.broadcast %mul3A_763 : f32 to vector<16xf32>
      %mul3A_765 = arith.mulf %mul3A_764, %mul3A_66 : vector<16xf32>
      %add3A_766 = arith.addf %mul3A_762, %mul3A_765 : vector<16xf32>
      %mul3A_767 = arith.mulf %add3A_745, %add3A_745 : vector<16xf32>
      %mul3A_768 = arith.mulf %add3A_752, %add3A_752 : vector<16xf32>
      %add3A_769 = arith.addf %mul3A_767, %mul3A_768 : vector<16xf32>
      %mul3A_770 = arith.mulf %add3A_759, %add3A_759 : vector<16xf32>
      %add3A_771 = arith.addf %add3A_769, %mul3A_770 : vector<16xf32>
      %mul3A_772 = arith.mulf %add3A_766, %add3A_766 : vector<16xf32>
      %add3A_773 = arith.addf %add3A_771, %mul3A_772 : vector<16xf32>
      %reduce_sum3A_774 = arith.constant true
      %reduce_sum3A_775 = vector.broadcast %reduce_sum3A_774 : i1 to vector<16xi1>
      %reduce_sum3A_776 = tpu.scan <sum>, %add3A_773 masked %reduce_sum3A_775 : vector<16xf32>, vector<16xi1> -> vector<16xf32>
      %reduce_sum3A_777 = vector.extract %reduce_sum3A_776[15] : f32 from vector<16xf32>
      %broadcast_in_dim3A_778 = vector.broadcast %reduce_sum3A_777 : f32 to vector<16xf32>
      %bitcast3A_779 = vector.bitcast %broadcast_in_dim3A_778 : vector<16xf32> to vector<16xi32>
      %shift_right_arithmetic3A_780 = arith.constant 1 : i32
      %shift_right_arithmetic3A_781 = vector.broadcast %shift_right_arithmetic3A_780 : i32 to vector<16xi32>
      %shift_right_arithmetic3A_782 = arith.shrsi %bitcast3A_779, %shift_right_arithmetic3A_781 : vector<16xi32>
      %sub3A_783 = arith.constant 1597463007 : i32
      %sub3A_784 = vector.broadcast %sub3A_783 : i32 to vector<16xi32>
      %sub3A_785 = arith.subi %sub3A_784, %shift_right_arithmetic3A_782 : vector<16xi32>
      %bitcast3A_786 = vector.bitcast %sub3A_785 : vector<16xi32> to vector<16xf32>
      %mul3A_787 = arith.constant 5.000000e-01 : f32
      %mul3A_788 = vector.broadcast %mul3A_787 : f32 to vector<16xf32>
      %mul3A_789 = arith.mulf %mul3A_788, %broadcast_in_dim3A_778 : vector<16xf32>
      %mul3A_790 = arith.mulf %mul3A_789, %bitcast3A_786 : vector<16xf32>
      %mul3A_791 = arith.mulf %mul3A_790, %bitcast3A_786 : vector<16xf32>
      %sub3A_792 = arith.constant 1.500000e+00 : f32
      %sub3A_793 = vector.broadcast %sub3A_792 : f32 to vector<16xf32>
      %sub3A_794 = arith.subf %sub3A_793, %mul3A_791 : vector<16xf32>
      %mul3A_795 = arith.mulf %bitcast3A_786, %sub3A_794 : vector<16xf32>
      %mul3A_796 = arith.constant 5.000000e-01 : f32
      %mul3A_797 = vector.broadcast %mul3A_796 : f32 to vector<16xf32>
      %mul3A_798 = arith.mulf %mul3A_797, %broadcast_in_dim3A_778 : vector<16xf32>
      %mul3A_799 = arith.mulf %mul3A_798, %mul3A_795 : vector<16xf32>
      %mul3A_800 = arith.mulf %mul3A_799, %mul3A_795 : vector<16xf32>
      %sub3A_801 = arith.constant 1.500000e+00 : f32
      %sub3A_802 = vector.broadcast %sub3A_801 : f32 to vector<16xf32>
      %sub3A_803 = arith.subf %sub3A_802, %mul3A_800 : vector<16xf32>
      %mul3A_804 = arith.mulf %mul3A_795, %sub3A_803 : vector<16xf32>
      %mul3A_805 = arith.constant 5.000000e-01 : f32
      %mul3A_806 = vector.broadcast %mul3A_805 : f32 to vector<16xf32>
      %mul3A_807 = arith.mulf %mul3A_806, %broadcast_in_dim3A_778 : vector<16xf32>
      %mul3A_808 = arith.mulf %mul3A_807, %mul3A_804 : vector<16xf32>
      %mul3A_809 = arith.mulf %mul3A_808, %mul3A_804 : vector<16xf32>
      %sub3A_810 = arith.constant 1.500000e+00 : f32
      %sub3A_811 = vector.broadcast %sub3A_810 : f32 to vector<16xf32>
      %sub3A_812 = arith.subf %sub3A_811, %mul3A_809 : vector<16xf32>
      %mul3A_813 = arith.mulf %mul3A_804, %sub3A_812 : vector<16xf32>
      %reduce_max3A_814 = arith.constant true
      %reduce_max3A_815 = vector.broadcast %reduce_max3A_814 : i1 to vector<16xi1>
      %reduce_max3A_816 = tpu.scan <max>, %mul3A_813 masked %reduce_max3A_815 : vector<16xf32>, vector<16xi1> -> vector<16xf32>
      %reduce_max3A_817 = vector.extract %reduce_max3A_816[15] : f32 from vector<16xf32>
      %min3A_818 = arith.constant 9.99999995E+11 : f32
      %min3A_819 = arith.minimumf %reduce_max3A_817, %min3A_818 : f32
      %mul3A_820 = vector.broadcast %min3A_819 : f32 to vector<16xf32>
      %mul3A_821 = arith.mulf %add3A_745, %mul3A_820 : vector<16xf32>
      %select_n3A_822 = arith.select %and3A, %mul3A_821, %mul3A_60 : vector<16xf32>
      %mul3A_823 = vector.broadcast %min3A_819 : f32 to vector<16xf32>
      %mul3A_824 = arith.mulf %add3A_752, %mul3A_823 : vector<16xf32>
      %select_n3A_825 = arith.select %and3A, %mul3A_824, %mul3A_62 : vector<16xf32>
      %mul3A_826 = vector.broadcast %min3A_819 : f32 to vector<16xf32>
      %mul3A_827 = arith.mulf %add3A_759, %mul3A_826 : vector<16xf32>
      %select_n3A_828 = arith.select %and3A, %mul3A_827, %mul3A_64 : vector<16xf32>
      %mul3A_829 = vector.broadcast %min3A_819 : f32 to vector<16xf32>
      %mul3A_830 = arith.mulf %add3A_766, %mul3A_829 : vector<16xf32>
      %select_n3A_831 = arith.select %and3A, %mul3A_830, %mul3A_66 : vector<16xf32>
      %convert_element_type3A_832 = arith.extui %gt3A_714 : i1 to i32
      %cond3A_833 = arith.constant 0 : i32
      %cond3A_834 = arith.cmpi ne, %convert_element_type3A_832, %cond3A_833 : i32
      scf.if %cond3A_834 {
        %swap3A_935 = arith.constant 0 : index
        %swap3A_936 = tpu.vector_load %arg10[%swap3A_935] {strides = array<i32>} : memref<64xf32, #tpu.memory_space<vmem>>, vector<16xf32>,
        tpu.vector_store %arg10[%swap3A_935], %select_n3A_822 {strides = array<i32>} : memref<64xf32, #tpu.memory_space<vmem>>, vector<16xf32>,
        %swap3A_937 = arith.constant 16 : index
        %swap3A_938 = tpu.vector_load %arg10[%swap3A_937] {strides = array<i32>} : memref<64xf32, #tpu.memory_space<vmem>>, vector<16xf32>,
        tpu.vector_store %arg10[%swap3A_937], %select_n3A_825 {strides = array<i32>} : memref<64xf32, #tpu.memory_space<vmem>>, vector<16xf32>,
        %swap3A_939 = arith.constant 32 : index
        %swap3A_940 = tpu.vector_load %arg10[%swap3A_939] {strides = array<i32>} : memref<64xf32, #tpu.memory_space<vmem>>, vector<16xf32>,
        tpu.vector_store %arg10[%swap3A_939], %select_n3A_828 {strides = array<i32>} : memref<64xf32, #tpu.memory_space<vmem>>, vector<16xf32>,
        %swap3A_941 = arith.constant 48 : index
        %swap3A_942 = tpu.vector_load %arg10[%swap3A_941] {strides = array<i32>} : memref<64xf32, #tpu.memory_space<vmem>>, vector<16xf32>,
        tpu.vector_store %arg10[%swap3A_941], %select_n3A_831 {strides = array<i32>} : memref<64xf32, #tpu.memory_space<vmem>>, vector<16xf32>,
        %add3A_943 = arith.constant 80 : i32
        %add3A_944 = arith.addi %add3A_943, %select_n3A_712 : i32
        %broadcast_in_dim3A_945 = vector.broadcast %add3A_944 : i32 to vector<16xi32>
        %broadcast_in_dim3A_946 = vector.broadcast %select_n3A_738 : f32 to vector<16xf32>
        tpu.vector_store_idx %arg6[%broadcast_in_dim3A_945], %broadcast_in_dim3A_946 : memref<192xf32, #tpu.memory_space<vmem>>[vector<16xi32>], vector<16xf32>,
      } else {
      }
      %get3A_835 = arith.constant 80 : index
      %get3A_836 = tpu.vector_load %arg6[%get3A_835] {strides = array<i32>} : memref<192xf32, #tpu.memory_space<vmem>>, vector<16xf32>,
      %mul3A_837 = arith.constant 9.950000e-01 : f32
      %mul3A_838 = vector.broadcast %mul3A_837 : f32 to vector<16xf32>
      %mul3A_839 = arith.mulf %get3A_836, %mul3A_838 : vector<16xf32>
      %gt3A_840 = arith.constant 0.00999999977 : f32
      %gt3A_841 = vector.broadcast %gt3A_840 : f32 to vector<16xf32>
      %gt3A_842 = arith.cmpf ogt, %mul3A_839, %gt3A_841 : vector<16xf32>
      %convert_element_type3A_843 = arith.extui %gt3A_842 : vector<16xi1> to vector<16xi32>
      %convert_element_type3A_844 = arith.sitofp %convert_element_type3A_843 : vector<16xi32> to vector<16xf32>
      %mul3A_845 = arith.mulf %mul3A_839, %convert_element_type3A_844 : vector<16xf32>
      %swap3A_846 = arith.constant 80 : index
      %swap3A_847 = tpu.vector_load %arg6[%swap3A_846] {strides = array<i32>} : memref<192xf32, #tpu.memory_space<vmem>>, vector<16xf32>,
      tpu.vector_store %arg6[%swap3A_846], %mul3A_845 {strides = array<i32>} : memref<192xf32, #tpu.memory_space<vmem>>, vector<16xf32>,
      %get3A_848 = arith.constant 96 : index
      %get3A_849 = tpu.vector_load %arg6[%get3A_848] {strides = array<i32>} : memref<192xf32, #tpu.memory_space<vmem>>, vector<16xf32>,
      %mul3A_850 = arith.constant 9.950000e-01 : f32
      %mul3A_851 = vector.broadcast %mul3A_850 : f32 to vector<16xf32>
      %mul3A_852 = arith.mulf %get3A_849, %mul3A_851 : vector<16xf32>
      %gt3A_853 = arith.constant 0.00999999977 : f32
      %gt3A_854 = vector.broadcast %gt3A_853 : f32 to vector<16xf32>
      %gt3A_855 = arith.cmpf ogt, %mul3A_852, %gt3A_854 : vector<16xf32>
      %convert_element_type3A_856 = arith.extui %gt3A_855 : vector<16xi1> to vector<16xi32>
      %convert_element_type3A_857 = arith.sitofp %convert_element_type3A_856 : vector<16xi32> to vector<16xf32>
      %mul3A_858 = arith.mulf %mul3A_852, %convert_element_type3A_857 : vector<16xf32>
      %swap3A_859 = arith.constant 96 : index
      %swap3A_860 = tpu.vector_load %arg6[%swap3A_859] {strides = array<i32>} : memref<192xf32, #tpu.memory_space<vmem>>, vector<16xf32>,
      tpu.vector_store %arg6[%swap3A_859], %mul3A_858 {strides = array<i32>} : memref<192xf32, #tpu.memory_space<vmem>>, vector<16xf32>,
      %get3A_861 = arith.constant 112 : index
      %get3A_862 = tpu.vector_load %arg6[%get3A_861] {strides = array<i32>} : memref<192xf32, #tpu.memory_space<vmem>>, vector<16xf32>,
      %mul3A_863 = arith.constant 9.950000e-01 : f32
      %mul3A_864 = vector.broadcast %mul3A_863 : f32 to vector<16xf32>
      %mul3A_865 = arith.mulf %get3A_862, %mul3A_864 : vector<16xf32>
      %gt3A_866 = arith.constant 0.00999999977 : f32
      %gt3A_867 = vector.broadcast %gt3A_866 : f32 to vector<16xf32>
      %gt3A_868 = arith.cmpf ogt, %mul3A_865, %gt3A_867 : vector<16xf32>
      %convert_element_type3A_869 = arith.extui %gt3A_868 : vector<16xi1> to vector<16xi32>
      %convert_element_type3A_870 = arith.sitofp %convert_element_type3A_869 : vector<16xi32> to vector<16xf32>
      %mul3A_871 = arith.mulf %mul3A_865, %convert_element_type3A_870 : vector<16xf32>
      %swap3A_872 = arith.constant 112 : index
      %swap3A_873 = tpu.vector_load %arg6[%swap3A_872] {strides = array<i32>} : memref<192xf32, #tpu.memory_space<vmem>>, vector<16xf32>,
      tpu.vector_store %arg6[%swap3A_872], %mul3A_871 {strides = array<i32>} : memref<192xf32, #tpu.memory_space<vmem>>, vector<16xf32>,
      %get3A_874 = arith.constant 128 : index
      %get3A_875 = tpu.vector_load %arg6[%get3A_874] {strides = array<i32>} : memref<192xf32, #tpu.memory_space<vmem>>, vector<16xf32>,
      %mul3A_876 = arith.constant 9.950000e-01 : f32
      %mul3A_877 = vector.broadcast %mul3A_876 : f32 to vector<16xf32>
      %mul3A_878 = arith.mulf %get3A_875, %mul3A_877 : vector<16xf32>
      %gt3A_879 = arith.constant 0.00999999977 : f32
      %gt3A_880 = vector.broadcast %gt3A_879 : f32 to vector<16xf32>
      %gt3A_881 = arith.cmpf ogt, %mul3A_878, %gt3A_880 : vector<16xf32>
      %convert_element_type3A_882 = arith.extui %gt3A_881 : vector<16xi1> to vector<16xi32>
      %convert_element_type3A_883 = arith.sitofp %convert_element_type3A_882 : vector<16xi32> to vector<16xf32>
      %mul3A_884 = arith.mulf %mul3A_878, %convert_element_type3A_883 : vector<16xf32>
      %swap3A_885 = arith.constant 128 : index
      %swap3A_886 = tpu.vector_load %arg6[%swap3A_885] {strides = array<i32>} : memref<192xf32, #tpu.memory_space<vmem>>, vector<16xf32>,
      tpu.vector_store %arg6[%swap3A_885], %mul3A_884 {strides = array<i32>} : memref<192xf32, #tpu.memory_space<vmem>>, vector<16xf32>,
      %get3A_887 = arith.constant 144 : index
      %get3A_888 = tpu.vector_load %arg6[%get3A_887] {strides = array<i32>} : memref<192xf32, #tpu.memory_space<vmem>>, vector<16xf32>,
      %mul3A_889 = arith.constant 9.950000e-01 : f32
      %mul3A_890 = vector.broadcast %mul3A_889 : f32 to vector<16xf32>
      %mul3A_891 = arith.mulf %get3A_888, %mul3A_890 : vector<16xf32>
      %gt3A_892 = arith.constant 0.00999999977 : f32
      %gt3A_893 = vector.broadcast %gt3A_892 : f32 to vector<16xf32>
      %gt3A_894 = arith.cmpf ogt, %mul3A_891, %gt3A_893 : vector<16xf32>
      %convert_element_type3A_895 = arith.extui %gt3A_894 : vector<16xi1> to vector<16xi32>
      %convert_element_type3A_896 = arith.sitofp %convert_element_type3A_895 : vector<16xi32> to vector<16xf32>
      %mul3A_897 = arith.mulf %mul3A_891, %convert_element_type3A_896 : vector<16xf32>
      %swap3A_898 = arith.constant 144 : index
      %swap3A_899 = tpu.vector_load %arg6[%swap3A_898] {strides = array<i32>} : memref<192xf32, #tpu.memory_space<vmem>>, vector<16xf32>,
      tpu.vector_store %arg6[%swap3A_898], %mul3A_897 {strides = array<i32>} : memref<192xf32, #tpu.memory_space<vmem>>, vector<16xf32>,
      %get3A_900 = arith.constant 160 : index
      %get3A_901 = tpu.vector_load %arg6[%get3A_900] {strides = array<i32>} : memref<192xf32, #tpu.memory_space<vmem>>, vector<16xf32>,
      %mul3A_902 = arith.constant 9.950000e-01 : f32
      %mul3A_903 = vector.broadcast %mul3A_902 : f32 to vector<16xf32>
      %mul3A_904 = arith.mulf %get3A_901, %mul3A_903 : vector<16xf32>
      %gt3A_905 = arith.constant 0.00999999977 : f32
      %gt3A_906 = vector.broadcast %gt3A_905 : f32 to vector<16xf32>
      %gt3A_907 = arith.cmpf ogt, %mul3A_904, %gt3A_906 : vector<16xf32>
      %convert_element_type3A_908 = arith.extui %gt3A_907 : vector<16xi1> to vector<16xi32>
      %convert_element_type3A_909 = arith.sitofp %convert_element_type3A_908 : vector<16xi32> to vector<16xf32>
      %mul3A_910 = arith.mulf %mul3A_904, %convert_element_type3A_909 : vector<16xf32>
      %swap3A_911 = arith.constant 160 : index
      %swap3A_912 = tpu.vector_load %arg6[%swap3A_911] {strides = array<i32>} : memref<192xf32, #tpu.memory_space<vmem>>, vector<16xf32>,
      tpu.vector_store %arg6[%swap3A_911], %mul3A_910 {strides = array<i32>} : memref<192xf32, #tpu.memory_space<vmem>>, vector<16xf32>,
      %get3A_913 = arith.constant 176 : index
      %get3A_914 = tpu.vector_load %arg6[%get3A_913] {strides = array<i32>} : memref<192xf32, #tpu.memory_space<vmem>>, vector<16xf32>,
      %mul3A_915 = arith.constant 9.950000e-01 : f32
      %mul3A_916 = vector.broadcast %mul3A_915 : f32 to vector<16xf32>
      %mul3A_917 = arith.mulf %get3A_914, %mul3A_916 : vector<16xf32>
      %gt3A_918 = arith.constant 0.00999999977 : f32
      %gt3A_919 = vector.broadcast %gt3A_918 : f32 to vector<16xf32>
      %gt3A_920 = arith.cmpf ogt, %mul3A_917, %gt3A_919 : vector<16xf32>
      %convert_element_type3A_921 = arith.extui %gt3A_920 : vector<16xi1> to vector<16xi32>
      %convert_element_type3A_922 = arith.sitofp %convert_element_type3A_921 : vector<16xi32> to vector<16xf32>
      %mul3A_923 = arith.mulf %mul3A_917, %convert_element_type3A_922 : vector<16xf32>
      %swap3A_924 = arith.constant 176 : index
      %swap3A_925 = tpu.vector_load %arg6[%swap3A_924] {strides = array<i32>} : memref<192xf32, #tpu.memory_space<vmem>>, vector<16xf32>,
      tpu.vector_store %arg6[%swap3A_924], %mul3A_923 {strides = array<i32>} : memref<192xf32, #tpu.memory_space<vmem>>, vector<16xf32>,
      %dma_start3A = arith.constant 80 : i32
      %dma_start3A_926 = tpu.memref_slice %arg6[%dma_start3A] : memref<192xf32, #tpu.memory_space<vmem>> -> memref<100xf32, #tpu.memory_space<vmem>>
      %dma_start3A_927 = arith.constant 80 : i32
      %dma_start3A_928 = tpu.memref_slice %arg6[%dma_start3A_927] : memref<192xf32, #tpu.memory_space<vmem>> -> memref<100xf32, #tpu.memory_space<vmem>>
      tpu.enqueue_dma source(%dma_start3A_928 : memref<100xf32, #tpu.memory_space<vmem>>) target(%arg5 : memref<100xf32, #tpu.memory_space<hbm>>) target_semaphore(%arg13 : memref<!tpu.dma_semaphore, #tpu.memory_space<semaphore_mem>>)
      %convert_element_type3A_929 = arith.extui %gt3A_714 : i1 to i32
      %cond3A_930 = arith.constant 0 : i32
      %cond3A_931 = arith.cmpi ne, %convert_element_type3A_929, %cond3A_930 : i32
      scf.if %cond3A_931 {
        %mul3A_935 = arith.constant 64 : i32
        %mul3A_936 = arith.muli %select_n3A_712, %mul3A_935 : i32
        "tpu.region"() ({
          %run_scoped3A = tpu.sem_alloc : memref<!tpu.dma_semaphore, #tpu.memory_space<semaphore_mem>>
          %dma_start3A_937 = tpu.memref_slice %arg4[%mul3A_936] : memref<6400xf32, #tpu.memory_space<hbm>> -> memref<64xf32, #tpu.memory_space<hbm>>
          %dma_start3A_938 = tpu.memref_slice %arg4[%mul3A_936] : memref<6400xf32, #tpu.memory_space<hbm>> -> memref<64xf32, #tpu.memory_space<hbm>>
          tpu.enqueue_dma source(%arg10 : memref<64xf32, #tpu.memory_space<vmem>>) target(%dma_start3A_938 : memref<64xf32, #tpu.memory_space<hbm>>) target_semaphore(%run_scoped3A : memref<!tpu.dma_semaphore, #tpu.memory_space<semaphore_mem>>)
          %dma_wait3A_939 = tpu.memref_slice %arg4[%mul3A_936] : memref<6400xf32, #tpu.memory_space<hbm>> -> memref<64xf32, #tpu.memory_space<hbm>>
          %dma_wait3A_940 = tpu.memref_slice %arg4[%mul3A_936] : memref<6400xf32, #tpu.memory_space<hbm>> -> memref<64xf32, #tpu.memory_space<hbm>>
          tpu.wait_dma2 semaphore(%run_scoped3A : memref<!tpu.dma_semaphore, #tpu.memory_space<semaphore_mem>>) src(%arg10 : memref<64xf32, #tpu.memory_space<vmem>>) dst(%dma_wait3A_940 : memref<64xf32, #tpu.memory_space<hbm>>)
          tpu.yield
        }) : () -> ()
      } else {
      }
      %dma_wait3A = arith.constant 80 : i32
      %dma_wait3A_932 = tpu.memref_slice %arg6[%dma_wait3A] : memref<192xf32, #tpu.memory_space<vmem>> -> memref<100xf32, #tpu.memory_space<vmem>>
      %dma_wait3A_933 = arith.constant 80 : i32
      %dma_wait3A_934 = tpu.memref_slice %arg6[%dma_wait3A_933] : memref<192xf32, #tpu.memory_space<vmem>> -> memref<100xf32, #tpu.memory_space<vmem>>
      tpu.wait_dma2 semaphore(%arg13 : memref<!tpu.dma_semaphore, #tpu.memory_space<semaphore_mem>>) src(%dma_wait3A_934 : memref<100xf32, #tpu.memory_space<vmem>>) dst(%arg5 : memref<100xf32, #tpu.memory_space<hbm>>)
    } else {
    }
    return
  }
}

</mosaic_0001>

<sc_bundles>
// kernel: kernel.3.cloned.1.call-start
scs
__scs_entry_jumppad:
0x0: {  	(pc) =	sbr.rel $0x88, $3  }
0x1: {  	(tag) =	ssettag $0x0;
	lr =	simm.s32 $0x1  }
0x2: {  	[smem:$0x3F9D] =	sst lr;
	_ =	strace $0xD0000000  }
0x3: {  	_ = 	snop  }
0x4: {  	_ = 	snop  }
0x5: {  	_ = 	snop  }
0x6: {  	_ = 	snop  }
0x7: {  	_ = 	snop  }
__scs_overlays_trampoline_lowered:
0x8: {  	[smem:$0x3FAC] =	sst s0  }
0x9: {  	[smem:$0x3FAD] =	sst s1  }
0xa: {  	[smem:$0x3FAE] =	sst s2  }
0xb: {  	[smem:$0x3FAF] =	sst s3  }
0xc: {  	[smem:$0x3FB0] =	sst s4  }
0xd: {  	[smem:$0x3FB1] =	sst s5  }
0xe: {  	[smem:$0x3FB2] =	sst s6  }
0xf: {  	[smem:$0x3FB3] =	sst s7  }
0x10: {  	[smem:$0x3FB4] =	sst s8  }
0x11: {  	[smem:$0x3FB5] =	sst s9;
	s0 =	simm.s32 @!p0 $0x0  }
0x12: {  	s1 =	sld [smem:$0x3F9B];
	s0 =	simm.s32 @p0 $0x1  }
0x13: {  	[smem:$0x3FB6] =	sst s0;
	s0 =	simm.s32 @!p1 $0x0  }
0x14: {  	s2 =	sld [smem:$0x3F9A];
	s0 =	simm.s32 @p1 $0x1  }
0x15: {  	[smem:$0x3FB7] =	sst s0;
	s0 =	simm.s32 @!p2 $0x0  }
0x16: {  	s3 =	sld [smem:$0x3FDB];
	s0 =	simm.s32 @p2 $0x1  }
0x17: {  	s4 =	simm.s32 $0x1BF5;
	[smem:$0x3FB9] =	sst s0  }
0x18: {  	s0 =	sld [smem:$0x3F9C];
	_ =	swait.ge [sflag:s4], $0x0  }
0x19: {  	s7 =	sld [smem:$0x3F9D]  }
0x1a: {  	s8 =	sadd.s32 $0xFFFFE003, lr  }
0x1b: {  	s9 =	sadd.s32 $0xFFFFFEF7, lr;
	s5 =	simm.s32 $0xFFFFFFFF;
	p2 =	slt.u32 s8, $0xFFFFF086  }
0x1c: {  	p1 =	slt.u32 s9, $0xF7A;
	s5 =	simm.s32 @!p2 $0x0  }
0x1d: {  	s5 =	simm.s32 @p1 $0x1;
	p0 =	seq.s32 s7, s2  }
0x1e: {  	s7 =	smul.u32 @!p0 $0xF7A, s2;
	p2 =	seq.s32 @!p0 s5, $0x0  }
0x1f: {  	s9 =	smul.u32 $0xF7A, s1;
	s8 =	simm.s32 @!p0 $0x1BF5;
	p2 =	por !p2, p0  }
0x20: {  	[sflag:s8] =	ssyncset.s32 @!p0 $0xFFFFF086;
	s6 =	sadd.s32 @!p0 s3, s7;
	s7 =	simm.s32 @!p0 $0x108  }
0x21: {  	s3 =	sadd.s32 s3, s9;
	s6 =	sadd.s32 @!p0 $0x88, s6;
	s7 =	simm.s32 @p2 $0x1082  }
0x22: {  	[simem:s7], [sflag:s8] =	dma.local @!p0 [hbm:s6], $0xF7A  }
0x23: {  	s9 =	sor.u32 $0xD0000000, s2;
	s6 =	simm.s32 $0x108;
	_ =	swait.ge @!p0 [sflag:s8], $0x0  }
0x24: {  	s3 =	sadd.s32 $0x88, s3;
	s6 =	simm.s32 @!p1 $0x1082;
	[sflag:s4] =	ssyncset.s32 $0xFFFFF086  }
0x25: {  	[simem:s6], [sflag:s4] =	dma.local [hbm:s3], $0xF7A  }
0x26: {  	[smem:$0x3F9D] =	sst s1;
	(tag) =	ssettag s2;
	_ =	strace s9  }
0x27: {  	s1 =	sld [smem:$0x3FAD]  }
0x28: {  	s2 =	sld [smem:$0x3FAE]  }
0x29: {  	s4 =	sld [smem:$0x3FB0]  }
0x2a: {  	p0 =	seq.s32 s5, $0x0;
	s5 =	sld [smem:$0x3FB1]  }
0x2b: {  	s6 =	sld [smem:$0x3FB2]  }
0x2c: {  	s7 =	sld [smem:$0x3FB3]  }
0x2d: {  	s3 =	simm.s32 $0x108;
	s8 =	sld [smem:$0x3FB4]  }
0x2e: {  	s3 =	simm.s32 @!p0 $0x1082;
	s9 =	sld [smem:$0x3FB5]  }
0x2f: {  	lr =	sadd.s32 s0, s3;
	s0 =	sld [smem:$0x3FAC]  }
0x30: {  	s3 =	sld [smem:$0x3FAF]  }
0x31: {  	[smem:$0x3FB8] =	sst s10  }
0x32: {  	s10 =	sld [smem:$0x3FB6];
	_ =	sdelay $0x3  }
0x33: {  	p0 =	seq.s32 s10, $0x1;
	s10 =	sld [smem:$0x3FB8];
	_ =	sdelay $0x3  }
0x34: {  	[smem:$0x3FB8] =	sst s10  }
0x35: {  	s10 =	sld [smem:$0x3FB7];
	_ =	sdelay $0x3  }
0x36: {  	p1 =	seq.s32 s10, $0x1;
	s10 =	sld [smem:$0x3FB8];
	_ =	sdelay $0x3  }
0x37: {  	[smem:$0x3FB8] =	sst s10  }
0x38: {  	s10 =	sld [smem:$0x3FB9]  }
0x39: {  	_ = 	snop;
	(pc) =	sbr.ind lr, $3  }
0x3a: {  	_ = 	snop  }
0x3b: {  	_ = 	snop  }
0x3c: {  	p2 =	seq.s32 s10, $0x1;
	s10 =	sld [smem:$0x3FB8]  }
0x3d: {  	_ =	shalt  }
0x3e: {  	_ =	shalt  }
0x3f: {  	_ =	shalt  }
0x40: {  	_ =	shalt  }
0x41: {  	_ =	shalt  }
0x42: {  	_ =	shalt  }
0x43: {  	_ =	shalt  }
0x44: {  	_ =	shalt  }
0x45: {  	_ =	shalt  }
0x46: {  	_ =	shalt  }
0x47: {  	_ =	shalt  }
0x48: {  	_ =	shalt  }
0x49: {  	_ =	shalt  }
0x4a: {  	_ =	shalt  }
0x4b: {  	_ =	shalt  }
0x4c: {  	_ =	shalt  }
0x4d: {  	_ =	shalt  }
0x4e: {  	_ =	shalt  }
0x4f: {  	_ =	shalt  }
0x50: {  	_ =	shalt  }
0x51: {  	_ =	shalt  }
0x52: {  	_ =	shalt  }
0x53: {  	_ =	shalt  }
0x54: {  	_ =	shalt  }
0x55: {  	_ =	shalt  }
0x56: {  	_ =	shalt  }
0x57: {  	_ =	shalt  }
0x58: {  	_ =	shalt  }
0x59: {  	_ =	shalt  }
0x5a: {  	_ =	shalt  }
0x5b: {  	_ =	shalt  }
0x5c: {  	_ =	shalt  }
0x5d: {  	_ =	shalt  }
0x5e: {  	_ =	shalt  }
0x5f: {  	_ =	shalt  }
0x60: {  	_ =	shalt  }
0x61: {  	_ =	shalt  }
0x62: {  	_ =	shalt  }
0x63: {  	_ =	shalt  }
0x64: {  	_ =	shalt  }
0x65: {  	_ =	shalt  }
0x66: {  	_ =	shalt  }
0x67: {  	_ =	shalt  }
0x68: {  	_ =	shalt  }
0x69: {  	_ =	shalt  }
0x6a: {  	_ =	shalt  }
0x6b: {  	_ =	shalt  }
0x6c: {  	_ =	shalt  }
0x6d: {  	_ =	shalt  }
0x6e: {  	_ =	shalt  }
0x6f: {  	_ =	shalt  }
0x70: {  	_ =	shalt  }
0x71: {  	_ =	shalt  }
0x72: {  	_ =	shalt  }
0x73: {  	_ =	shalt  }
0x74: {  	_ =	shalt  }
0x75: {  	_ =	shalt  }
0x76: {  	_ =	shalt  }
0x77: {  	_ =	shalt  }
0x78: {  	_ =	shalt  }
0x79: {  	_ =	shalt  }
0x7a: {  	_ =	shalt  }
0x7b: {  	_ =	shalt  }
0x7c: {  	_ =	shalt  }
0x7d: {  	_ =	shalt  }
0x7e: {  	_ =	shalt  }
0x7f: {  	_ =	shalt  }
0x80: {  	_ =	shalt  }
0x81: {  	_ =	shalt  }
0x82: {  	_ =	shalt  }
0x83: {  	_ =	shalt  }
0x84: {  	_ =	shalt  }
0x85: {  	_ =	shalt  }
0x86: {  	_ =	shalt  }
0x87: {  	_ =	shalt  }
.Lfunc_end0:
.L_simem_size_0:
called_computation_lowered:
.L_overlay_start_0:
0x88: {  	s0 =	sld [smem:$0x3FD9]  }
0x89: {  	s1 =	sld [smem:$0x3FFE];
	_ =	sdelay $0x3  }
0x8a: {  	s0 =	sadd.s32 s1, s0  }
0x8b: {  	[smem:$0x3FC4] =	sst s0  }
0x8c: {  	_ = 	snop  }
0x8d: {  	s0 =	sld [smem:$0x3FD0];
	_ =	sdelay $0x2  }
0x8e: {  	s13 =	simm.s32 $0xA;
	s2 =	simm.s32 $0x10  }
0x8f: {  	[smem:s2], [sflag:s13] =	dma.local [hbm:s0], $0x1  }
0x90: {  	_ =	swait.eq [sflag:s13], $0x1  }
0x91: {  	[sflag:s13] =	ssyncset.done $0x0  }
0x92: {  	s14 =	sld [smem:$0x10];
	[sflag:s13] =	ssyncadd.s32 $0xFFFFFFFF  }
0x93: {  	s15 =	sld [smem:$0x11];
	(tm) =	ssettm $0x1  }
0x94: {  	s16 =	sld [smem:$0x3FFB];
	_ =	sdelay $0x3  }
0x95: {  	_ =	strace s16  }
0x96: {  	s2 =	sld [smem:$0x3FFC];
	_ =	sdelay $0x3  }
0x97: {  	_ =	strace s2  }
0x98: {  	s2 =	sld [smem:$0x3FFD];
	_ =	sdelay $0x3  }
0x99: {  	_ =	strace s2  }
0x9a: {  	_ =	strace $0x8FFFFFFF  }
0x9b: {  	s17 =	sld [smem:$0x3FDB];
	_ =	sdelay $0x1  }
0x9c: {  	s3 =	simm.s32 $_scs_section_size  }
0x9d: {  	s4 =	simm.s32 $_size__tile_overlayer_lowered;
	s5 =	simm.s32 $_tile_overlayer_lowered  }
0x9e: {  	s20 =	simm.s32 $0x1BFF;
	s19 =	sshll.u32 s5, $0x1;
	s2 =	sadd.s32 s3, s17  }
0x9f: {  	s6 =	simm.s32 $0x0;
	s18 =	sshll.u32 s4, $0x1;
	s4 =	sadd.s32 s19, s2  }
0xa0: {  	[timem:s6], [sflag:s20] =	dma.local [hbm:s4], s18  }
0xa1: {  	_ =	swait.ge [sflag:s20], s18  }
0xa2: {  	s3 =	ssub.s32 $0x0, s18;
	[sflag:s20] =	ssyncset.done $0x0  }
0xa3: {  	[sflag:s20] =	ssyncadd.s32 s3;
	_ =	sdelay $0x1  }
0xa4: {  	s21 =	simm.s32 $0x1B8B  }
0xa5: {  	_ =	swait.ge [sflag:s21], $0x1  }
0xa6: {  	[sflag:s21] =	ssyncset.done $0x0  }
0xa7: {  	s23 =	simm.s32 $0x1B8E;
	s22 =	sld [smem:$0x3FFE];
	[sflag:s21] =	ssyncadd.s32 $0xFFFFFFFF  }
0xa8: {  	s24 =	simm.s32 $execute0_lowered;
	[smem:$0x3FD2] =	sst s23  }
0xa9: {  	s4 =	sshll.u32 s24, $0x1;
	_ =	strace $0x80000046;
	[dreg:$0x1] =	wrdreg $0xFFFFFFFF  }
0xaa: {  	s25 =	simm.s32 $_size_execute0_lowered;
	s2 =	sadd.s32 s2, s4;
	[dreg:$0x0] =	wrdreg $0x0  }
0xab: {  	s4 =	sshll.u32 s25, $0x1;
	[dreg:$0x2] =	wrdreg s2  }
0xac: {  	[dreg:$0x3] =	wrdreg s4  }
0xad: {  	[dreg:$0x4] =	wrdreg $0xC0  }
0xae: {  	_ =	task [dreg:s6], $0x5FFFF  }
0xaf: {  	[dreg:$0x1] =	wrdreg $0xFFFFFFFF  }
0xb0: {  	[dreg:$0x0] =	wrdreg $0x60  }
0xb1: {  	[dreg:$0x2] =	wrdreg s22  }
0xb2: {  	[dreg:$0x3] =	wrdreg s14  }
0xb3: {  	[dreg:$0x4] =	wrdreg s15  }
0xb4: {  	[dreg:$0x5] =	wrdreg $0x5100  }
0xb5: {  	[dreg:$0x6] =	wrdreg $0x5000  }
0xb6: {  	[dreg:$0x7] =	wrdreg $0x9  }
0xb7: {  	_ =	task.clear_ibuf [dreg:s6], $0x8FFFF;
	_ =	strace $0x90000046  }
0xb8: {  	s26 =	simm.s32 $0x9;
	_ =	strace $0x80000048  }
0xb9: {  	_ =	swait.ge [sflag:s26], $0x1  }
0xba: {  	[sflag:s26] =	ssyncadd.s32 $0xFFFFFFFF  }
0xbb: {  	_ =	strace $0x90000048  }
0xbc: {  	_ =	sfence  }
0xbd: {  	s28 =	sld [smem:$0x0];
	_ =	sdelay $0x1  }
0xbe: {  	s29 =	srdreg.scid  }
0xbf: {  	s30 =	sshll.u32 s29, $0xD;
	s31 =	sshrl.u32 s29, $0x2  }
0xc0: {  	s1 =	sand.u32 $0x1, s29;
	s2 =	sand.u32 $0x4000, s30;
	s0 =	sadd.s32 s31, s28  }
0xc1: {  	s1 =	sor.u32 s2, s1;
	s0 =	sshll.u32 s0, $0x11  }
0xc2: {  	s0 =	sor.u32 s0, s1  }
0xc3: {  	s0 =	sadd.s32 $0x8F2B, s0  }
0xc4: {  	[sflag:s0] =	ssyncadd.remote.s32 $0x1  }
0xc5: {  	_ =	sfence.sel $0xFFFF  }
0xc6: {  	[dreg:$0x0] =	wrdreg $0xFFFFFFFF;
	(pc) =	sbr.abs _section_cstart, $3  }
0xc7: {  	[dreg:$0x1] =	wrdreg $0xFFFFFFFF  }
0xc8: {  	_ =	task.clear_ibuf [dreg:s6], $0x2FFFF;
	_ =	strace $0x9FFFFFFF  }
0xc9: {  	(tm) =	ssettm $0x7FFFFFFF  }
tec
execute0_lowered:
.L_overlay_start_1:
0x0: {  	(tag) =	ssettag $0x1  }
0x1: {  	s5 =	rddreg [dreg:$0x0]  }
0x2: {  	s9 =	rddreg [dreg:$0x1]  }
0x3: {  	s2 =	rddreg [dreg:$0x2]  }
0x4: {  	s3 =	rddreg [dreg:$0x3]  }
0x5: {  	s4 =	rddreg [dreg:$0x4]  }
0x6: {  	s0 =	rddreg [dreg:$0x5];
	s6 =	simm.s32 $0x0  }
0x7: {  	[smem:$0x7FF] =	sst s6  }
0x8: {  	s1 =	stileid.u32;
	s7 =	sadd.s32 $0xC00, s5;
	_ =	strace $0x80000047  }
0x9: {  	[tilespmem:s6], [sflag:$0x2] =	stream.linear.gather [hbm4b:s7+s6], $0x100, $0x38;
	[tilespmem:$0x550] =	vst v63  }
0xa: {  	p0 =	sgt.u32 s1, $0xD;
	s7 =	simm.s32 $0x2  }
0xb: {  	p1 =	sne.s32 @p0 s1, $0xE;
	_ =	swait.ge [sflag:s7], $0x100  }
0xc: {  	s8 =	sadd.s32 $0x310, s9;
	p2 =	por p1, !p0;
	[sflag:s7] =	ssyncset.done $0x0  }
0xd: {  	s10 =	simm.s32 @!p2 $0x0;
	s11 =	simm.s32 @!p2 $0x100;
	[sflag:s7] =	ssyncadd.s32 $0xFFFFFF00  }
0xe: {  	[tilespmem:s11], [sflag:$0x2] =	stream.linear.gather @!p2 [hbm4b:s8+s10], $0x80, $0x38;
	[tilespmem:$0x550] =	vst v63  }
0xf: {  	s10 =	simm.s32 @!p2 $0x2  }
0x10: {  	s8 =	smul.u32 $0x38, s1;
	_ =	swait.ge @!p2 [sflag:s10], $0x80  }
0x11: {  	s11 =	simm.s32 @!p0 $0x100;
	[sflag:s10] =	ssyncset.done @!p2 $0x0  }
0x12: {  	[sflag:s10] =	ssyncadd.s32 @!p2 $0xFFFFFF80;
	s10 =	sadd.s32 @!p0 s9, s8;
	s9 =	simm.s32 @!p0 $0x0  }
0x13: {  	[tilespmem:s11], [sflag:$0x2] =	stream.linear.gather @!p0 [hbm4b:s10+s9], $0x1C0, $0x38;
	[tilespmem:$0x550] =	vst v63  }
0x14: {  	s10 =	simm.s32 @!p0 $0x2  }
0x15: {  	_ =	swait.ge @!p0 [sflag:s10], $0x1C0  }
0x16: {  	[sflag:s10] =	ssyncset.done @!p0 $0x0  }
0x17: {  	[sflag:s10] =	ssyncadd.s32 @!p0 $0xFFFFFE40  }
0x18: {  	v0 =	vld [tilespmem:$0x0]  }
0x19: {  	v1 =	vld [tilespmem:$0x10];
	_ =	sdelay $0x1  }
0x1a: {  	v3 =	vld [tilespmem:$0x20];
	_ =	sdelay $0x1  }
0x1b: {  	v4 =	vld [tilespmem:$0x30]  }
0x1c: {  	v2 =	vmul.f32 v0, v0;
	v5 =	vmul.f32 v1, v1;
	_ =	sdelay $0x1  }
0x1d: {  	v2 =	vadd.f32 v5, v2;
	v5 =	vmul.f32 v3, v3;
	_ =	sdelay $0x1  }
0x1e: {  	v2 =	vadd.f32 v5, v2;
	v5 =	vmul.f32 v4, v4;
	_ =	sdelay $0x1  }
0x1f: {  	v2 =	vadd.f32 v5, v2;
	_ =	sdelay $0x1  }
0x20: {  	(xrf2) =	vadd.scan.msk.f32 $0xffff, v2;
	_ =	sdelay $0x9  }
0x21: {  	v2, _, _ =	vpop (xrf2)  }
0x22: {  	v5 =	vbroadcast v2, $0xF;
	_ =	sdelay $0x1  }
0x23: {  	v6 =	vshra.s32 v5, $0x1;
	v5 =	vmul.f32 $5.000000000e-01, v5  }
0x24: {  	v6 =	vsub.s32 $0x5F3759DF, v6  }
0x25: {  	v7 =	vmul.f32 v6, v5;
	_ =	sdelay $0x1  }
0x26: {  	v7 =	vmul.f32 v6, v7;
	_ =	sdelay $0x1  }
0x27: {  	v7 =	vsub.f32 $1.500000000e+00, v7;
	_ =	sdelay $0x1  }
0x28: {  	v6 =	vmul.f32 v6, v7;
	_ =	sdelay $0x1  }
0x29: {  	v7 =	vmul.f32 v6, v5;
	_ =	sdelay $0x1  }
0x2a: {  	v7 =	vmul.f32 v7, v6;
	_ =	sdelay $0x1  }
0x2b: {  	v7 =	vsub.f32 $1.500000000e+00, v7;
	_ =	sdelay $0x1  }
0x2c: {  	v6 =	vmul.f32 v7, v6;
	_ =	sdelay $0x1  }
0x2d: {  	v5 =	vmul.f32 v6, v5;
	_ =	sdelay $0x1  }
0x2e: {  	v5 =	vmul.f32 v5, v6;
	_ =	sdelay $0x1  }
0x2f: {  	v5 =	vsub.f32 $1.500000000e+00, v5;
	_ =	sdelay $0x1  }
0x30: {  	v5 =	vmul.f32 v5, v6;
	_ =	sdelay $0x1  }
0x31: {  	(xrf0) =	vmax.scan.msk.f32 $0xffff, v5;
	_ =	sdelay $0x5  }
0x32: {  	(v2sf) =	vpush v2, $0xF;
	v2, _, _ =	vpop (xrf0)  }
0x33: {  	(v2sf) =	vpush v2, $0xF;
	_ =	sdelay $0xd  }
0x34: {  	s12 =	spop (v2sf)  }
0x35: {  	s13 =	spop (v2sf)  }
0x36: {  	s13 =	smin.f32 s13, $9.999999950e+11  }
0x37: {  	s12 =	smul.f32 s13, s12;
	_ =	sdelay $0x1  }
0x38: {  	s12 =	smul.f32 s12, s13;
	_ =	sdelay $0x1  }
0x39: {  	v2 =	vmov s12  }
0x3a: {  	v5 =	vshra.s32 v2, $0x1;
	v2 =	vmul.f32 $5.000000000e-01, v2  }
0x3b: {  	v5 =	vsub.s32 $0x5F3759DF, v5  }
0x3c: {  	v20 =	vmul.f32 v5, v2;
	_ =	sdelay $0x1  }
0x3d: {  	v6 =	vmul.f32 v5, v20;
	_ =	sdelay $0x1  }
0x3e: {  	v6 =	vsub.f32 $1.500000000e+00, v6;
	_ =	sdelay $0x1  }
0x3f: {  	v5 =	vmul.f32 v5, v6;
	_ =	sdelay $0x1  }
0x40: {  	v6 =	vmul.f32 v5, v2;
	_ =	sdelay $0x1  }
0x41: {  	v6 =	vmul.f32 v6, v5;
	_ =	sdelay $0x1  }
0x42: {  	v6 =	vsub.f32 $1.500000000e+00, v6;
	_ =	sdelay $0x1  }
0x43: {  	v5 =	vmul.f32 v6, v5;
	_ =	sdelay $0x1  }
0x44: {  	v2 =	vmul.f32 v5, v2;
	_ =	sdelay $0x1  }
0x45: {  	v2 =	vmul.f32 v2, v5;
	_ =	sdelay $0x1  }
0x46: {  	v2 =	vsub.f32 $1.500000000e+00, v2;
	_ =	sdelay $0x1  }
0x47: {  	v2 =	vmul.f32 v2, v5;
	_ =	sdelay $0x1  }
0x48: {  	(xrf0) =	vmax.scan.msk.f32 $0xffff, v2;
	_ =	sdelay $0x5  }
0x49: {  	v2, _, _ =	vpop (xrf0)  }
0x4a: {  	(v2sf) =	vpush v2, $0xF  }
0x4b: {  	v22 =	vld [tilespmem:$0x120]  }
0x4c: {  	v10 =	vld [tilespmem:$0x140]  }
0x4d: {  	v13 =	vld [tilespmem:$0x150]  }
0x4e: {  	v16 =	vld [tilespmem:$0x160]  }
0x4f: {  	v17 =	vld [tilespmem:$0x170]  }
0x50: {  	v41 =	vld [tilespmem:$0x1F0]  }
0x51: {  	v45 =	vld [tilespmem:$0x220]  }
0x52: {  	v51 =	vld [tilespmem:$0x250]  }
0x53: {  	v25 =	vld [tilespmem:$0x180]  }
0x54: {  	v24 =	vmul.f32 v22, v22;
	v27 =	vmul.f32 v10, v10  }
0x55: {  	v28 =	vmul.f32 v13, v13;
	v31 =	vmul.f32 v16, v16;
	v20 =	vld [tilespmem:$0x190]  }
0x56: {  	v21 =	vld [tilespmem:$0x110];
	v35 =	vmul.f32 v17, v17;
	v50 =	vmul.f32 v41, v41  }
0x57: {  	v57 =	vmul.f32 v45, v45;
	v61 =	vmul.f32 v51, v51  }
0x58: {  	v7 =	vmul.f32 v25, v25;
	v1 =	vmul.f32 s13, v1;
	v5 =	vld [tilespmem:$0x100]  }
0x59: {  	v3 =	vmul.f32 s13, v3;
	v2 =	vmul.f32 s13, v0;
	s25 =	spop (v2sf)  }
0x5a: {  	v39 =	vmul.f32 v20, v20;
	v0 =	vmul.f32 s13, v4;
	v4 =	vld [tilespmem:$0x130];
	s12 =	smin.f32 s25, $9.999999950e+11  }
0x5b: {  	v6 =	vmul.f32 v21, v21;
	v8 =	vmul.f32 s12, v2  }
0x5c: {  	v9 =	vmul.f32 s12, v1;
	v11 =	vmul.f32 s12, v3  }
0x5d: {  	v12 =	vmul.f32 s12, v0;
	v14 =	vmul.f32 v8, v5  }
0x5e: {  	v29 =	vld [tilespmem:$0x1A0];
	v15 =	vmul.f32 v9, v21;
	v5 =	vmul.f32 v5, v5  }
0x5f: {  	v32 =	vld [tilespmem:$0x1C0];
	v23 =	vmul.f32 v11, v22;
	v18 =	vmul.f32 v12, v4  }
0x60: {  	v43 =	vld [tilespmem:$0x210];
	v26 =	vmul.f32 v8, v10;
	v19 =	vmul.f32 v9, v13  }
0x61: {  	v47 =	vld [tilespmem:$0x230];
	v4 =	vmul.f32 v4, v4;
	v30 =	vmul.f32 v11, v16  }
0x62: {  	v49 =	vld [tilespmem:$0x240];
	v33 =	vmul.f32 v12, v17;
	v36 =	vmul.f32 v8, v25  }
0x63: {  	v37 =	vmul.f32 v9, v20;
	v38 =	vmul.f32 v11, v29  }
0x64: {  	v59 =	vld [tilespmem:$0x270];
	v13 =	vmul.f32 v29, v29;
	v42 =	vmul.f32 v8, v32  }
0x65: {  	v34 =	vld [tilespmem:$0x1D0];
	v16 =	vmul.f32 v32, v32;
	v48 =	vmul.f32 v12, v41  }
0x66: {  	v55 =	vld [tilespmem:$0x260];
	v53 =	vmul.f32 v9, v43;
	v56 =	vmul.f32 v11, v45  }
0x67: {  	v58 =	vld [tilespmem:$0x290];
	v7 =	vadd.f32 v39, v7;
	v25 =	vmul.f32 v12, v47;
	v60 =	vmul.f32 v8, v49  }
0x68: {  	v21 =	vld [tilespmem:$0x1B0];
	v17 =	vmul.f32 v49, v49;
	v14 =	vadd.f32 v15, v14;
	v5 =	vadd.f32 v6, v5  }
0x69: {  	v22 =	vld [tilespmem:$0x1E0];
	v32 =	vmul.f32 v12, v59;
	v15 =	vadd.f32 v19, v26;
	v6 =	vadd.f32 v28, v27  }
0x6a: {  	v7 =	vadd.f32 v13, v7;
	v19 =	vmul.f32 v43, v43;
	v27 =	vmul.f32 v9, v51  }
0x6b: {  	v28 =	vmul.f32 v55, v55;
	v14 =	vadd.f32 v14, v23;
	v5 =	vadd.f32 v24, v5  }
0x6c: {  	v6 =	vadd.f32 v31, v6;
	v23 =	vmul.f32 v9, v34;
	v24 =	vld [tilespmem:$0x200];
	v63 =	vadd.f32 v27, v60  }
0x6d: {  	v27 =	vadd.f32 v61, v17;
	v9 =	vmul.f32 v9, v58;
	v31 =	vmul.f32 v58, v58  }
0x6e: {  	v40 =	vmul.f32 v12, v21;
	v44 =	vmul.f32 v11, v22;
	v14 =	vadd.f32 v14, v18  }
0x6f: {  	v21 =	vmul.f32 v21, v21;
	v4 =	vadd.f32 v4, v5;
	v5 =	vadd.f32 v15, v30  }
0x70: {  	v6 =	vadd.f32 v35, v6;
	v15 =	vadd.f32 v37, v36;
	v18 =	vmul.f32 v34, v34  }
0x71: {  	v26 =	vld [tilespmem:$0x280];
	v10 =	vadd.f32 v23, v42;
	v7 =	vadd.f32 v21, v7;
	v52 =	vmul.f32 v8, v24  }
0x72: {  	v46 =	vmul.f32 v22, v22;
	v5 =	vadd.f32 v5, v33;
	v15 =	vadd.f32 v15, v38  }
0x73: {  	v22 =	vmul.f32 v47, v47;
	v16 =	vadd.f32 v18, v16;
	(xrf2) =	vadd.scan.msk.f32 $0xffff, v14;
	v13 =	vadd.f32 v53, v52  }
0x74: {  	v62 =	vld [tilespmem:$0x2A0];
	v10 =	vadd.f32 v10, v44;
	v54 =	vmul.f32 v24, v24;
	(xrf2) =	vadd.scan.msk.f32 $0xffff, v4;
	v15 =	vadd.f32 v15, v40  }
0x75: {  	v34 =	vmul.f32 v59, v59;
	v16 =	vadd.f32 v46, v16;
	(xrf2) =	vadd.scan.msk.f32 $0xffff, v5;
	v13 =	vadd.f32 v13, v56  }
0x76: {  	v29 =	vld [tilespmem:$0x2B0];
	v8 =	vmul.f32 v8, v26;
	v10 =	vadd.f32 v10, v48;
	v18 =	vadd.f32 v19, v54;
	(xrf2) =	vadd.scan.msk.f32 $0xffff, v6  }
0x77: {  	v6 =	vadd.f32 v28, v27;
	(xrf2) =	vadd.scan.msk.f32 $0xffff, v15;
	v5 =	vadd.f32 v13, v25;
	v25 =	vmul.f32 v11, v55  }
0x78: {  	v30 =	vmul.f32 v26, v26;
	v16 =	vadd.f32 v50, v16;
	v4 =	vadd.f32 v57, v18;
	(xrf2) =	vadd.scan.msk.f32 $0xffff, v7  }
0x79: {  	v33 =	vmul.f32 v11, v62;
	v8 =	vadd.f32 v9, v8;
	(xrf2) =	vadd.scan.msk.f32 $0xffff, v10;
	v13 =	vadd.f32 v63, v25  }
0x7a: {  	v35 =	vmul.f32 v62, v62;
	v7 =	vadd.f32 v31, v30;
	v4 =	vadd.f32 v22, v4;
	(xrf2) =	vadd.scan.msk.f32 $0xffff, v16  }
0x7b: {  	v36 =	vmul.f32 v12, v29;
	v8 =	vadd.f32 v8, v33;
	(xrf2) =	vadd.scan.msk.f32 $0xffff, v5;
	v5 =	vadd.f32 v13, v32  }
0x7c: {  	v38 =	vmul.f32 v29, v29;
	v37 =	vadd.f32 v35, v7;
	(xrf2) =	vadd.scan.msk.f32 $0xffff, v4;
	v4 =	vadd.f32 v34, v6  }
0x7d: {  	v39, _, _ =	vpop (xrf2);
	(xrf2) =	vadd.scan.msk.f32 $0xffff, v5;
	v5 =	vadd.f32 v8, v36  }
0x7e: {  	v40, _, _ =	vpop (xrf2);
	(xrf2) =	vadd.scan.msk.f32 $0xffff, v4;
	v4 =	vadd.f32 v38, v37;
	_ =	sdelay $0x1  }
0x7f: {  	v41, _, _ =	vpop (xrf2);
	(xrf2) =	vadd.scan.msk.f32 $0xffff, v5  }
0x80: {  	v5, _, _ =	vpop (xrf2);
	(xrf2) =	vadd.scan.msk.f32 $0xffff, v4  }
0x81: {  	v4, _, _ =	vpop (xrf2)  }
0x82: {  	v42, _, _ =	vpop (xrf2)  }
0x83: {  	v43, _, _ =	vpop (xrf2)  }
0x84: {  	v44, _, _ =	vpop (xrf2)  }
0x85: {  	v8 =	vbroadcast v40, $0xF;
	v45, _, _ =	vpop (xrf2)  }
0x86: {  	vm0 =	vmmov $0x1;
	v5 =	vbroadcast v5, $0xF;
	v46, _, _ =	vpop (xrf2)  }
0x87: {  	vm3 =	vcmask $0x31C;
	v8 =	vnsel vm0, $0x0, v8;
	v7 =	vbroadcast v42, $0xF;
	v47, _, _ =	vpop (xrf2)  }
0x88: {  	vm6 =	vcmask $0x71C;
	v5 =	vsel vm3, v8, v5;
	v49 =	vbroadcast v44, $0xF;
	v48, _, _ =	vpop (xrf2)  }
0x89: {  	vm4 =	vcmask $0xB1C;
	v5 =	vsel vm6, v5, v7;
	v51 =	vbroadcast v46, $0xF;
	v50, _, _ =	vpop (xrf2)  }
0x8a: {  	vm5 =	vcmask $0xF1C;
	v5 =	vsel vm4, v5, v49;
	v52 =	vbroadcast v48, $0xF;
	v53, _, _ =	vpop (xrf2)  }
0x8b: {  	vm1 =	vcmask $0x131C;
	v5 =	vsel vm5, v5, v51;
	v54 =	vbroadcast v53, $0xF  }
0x8c: {  	vm2 =	vcmask $0x171C;
	v5 =	vsel vm1, v5, v52  }
0x8d: {  	v5 =	vsel vm2, v5, v54  }
0x8e: {  	v7 =	vshra.s32 v5, $0x1;
	v55 =	vmul.f32 $5.000000000e-01, v5  }
0x8f: {  	v7 =	vsub.s32 $0x5F3759DF, v7  }
0x90: {  	v56 =	vmul.f32 v7, v55;
	_ =	sdelay $0x1  }
0x91: {  	v13 =	vmul.f32 v7, v56;
	_ =	sdelay $0x1  }
0x92: {  	v13 =	vsub.f32 $1.500000000e+00, v13;
	_ =	sdelay $0x1  }
0x93: {  	v7 =	vmul.f32 v7, v13;
	_ =	sdelay $0x1  }
0x94: {  	v13 =	vmul.f32 v7, v55;
	_ =	sdelay $0x1  }
0x95: {  	v13 =	vmul.f32 v13, v7;
	_ =	sdelay $0x1  }
0x96: {  	v13 =	vsub.f32 $1.500000000e+00, v13;
	_ =	sdelay $0x1  }
0x97: {  	v7 =	vmul.f32 v13, v7;
	_ =	sdelay $0x1  }
0x98: {  	v10 =	vbroadcast v39, $0xF;
	v8 =	vmul.f32 v7, v55  }
0x99: {  	v6 =	vbroadcast v41, $0xF  }
0x9a: {  	v10 =	vnsel vm0, $0x0, v10;
	v4 =	vbroadcast v4, $0xF;
	v8 =	vmul.f32 v8, v7  }
0x9b: {  	v6 =	vsel vm3, v10, v6;
	v9 =	vbroadcast v43, $0xF  }
0x9c: {  	p3 =	por @p0 $0x0, $0x0;
	p1 =	por !p1, !p0;
	p2 =	por @!p2 $0x1, $0x1;
	v4 =	vsel vm6, v6, v4;
	v57 =	vbroadcast v45, $0xF;
	v8 =	vsub.f32 $1.500000000e+00, v8  }
0x9d: {  	p2 =	por @!p1 p3, p3;
	v4 =	vsel vm4, v4, v9;
	v58 =	vbroadcast v47, $0xF  }
0x9e: {  	p1 =	seq.s32 s1, $0xF;
	p3 =	por @!p0 $0x0, $0x0;
	s12 =	simm.s32 $0x0;
	v4 =	vsel vm5, v4, v57;
	v59 =	vbroadcast v50, $0xF;
	v7 =	vmul.f32 v8, v7  }
0x9f: {  	p2 =	por @!p0 p3, p3;
	s12 =	simm.s32 @!p1 $0x7;
	v4 =	vsel vm1, v4, v58  }
0xa0: {  	s12 =	simm.s32 @p2 $0x2;
	v4 =	vsel vm2, v4, v59;
	v60 =	vmin.f32 v7, $1.000000000e+08  }
0xa1: {  	v61 =	vmov s12;
	v62 =	vlaneseq.u32;
	v4 =	vmul.f32 v4, v60  }
0xa2: {  	vm12 =	vgt.u32 v61, v62  }
0xa3: {  	v4 =	vnsel vm12, $0xFF7FC99E, v4  }
0xa4: {  	(xrf0) =	vmax.scan.msk.f32 $0xffff, v4;
	_ =	sdelay $0x5  }
0xa5: {  	v63, _, _ =	vpop (xrf0)  }
0xa6: {  	v6 =	vbroadcast v63, $0xF;
	_ =	sdelay $0x1  }
0xa7: {  	vm13 =	veq.f32 v4, v6  }
0xa8: {  	v4 =	vmctz.xlane vm13;
	_ =	sdelay $0x1  }
0xa9: {  	v4 =	vxor.u32 $0x80000000, v4  }
0xaa: {  	(xrf0) =	vmax.scan.msk.u32 $0xffff, v4;
	_ =	sdelay $0x5  }
0xab: {  	v4, _, _ =	vpop (xrf0)  }
0xac: {  	(v2sf) =	vpush v4, $0xF;
	_ =	sdelay $0xc  }
0xad: {  	v4 =	vnsel vm12, $0x0, v5  }
0xae: {  	s26 =	smul.u32 $0x7, s1;
	(xrf0) =	vmax.scan.msk.f32 $0xffff, v4  }
0xaf: {  	s28 =	spop (v2sf)  }
0xb0: {  	s12 =	sadd.s32 s28, s26  }
0xb1: {  	s12 =	sadd.s32 $0x80000000, s12  }
0xb2: {  	s12 =	scvt.s32.f32 s12  }
0xb3: {  	s13 =	sshll.u32 s28, $0x8  }
0xb4: {  	vm14 =	vcmask $0x704;
	s14 =	sshll.u32 s1, $0x6;
	v4, _, _ =	vpop (xrf0);
	s13 =	sshra.s32 s13, $0x2;
	v5 =	vmov s12  }
0xb5: {  	s29 =	sadd.s32 s14, s3;
	v6 =	vnsel vm0, $0x0, v6;
	v4 =	vbroadcast v4, $0xF;
	s13 =	sadd.s32 $0x100, s13;
	v5 =	vnsel vm14, $0x0, v5  }
0xb6: {  	vm15 =	vcmask $0xB08;
	[spmem:s29] =	stream.linear.scatter [tilespmem:s13], [sflag:$0x2], $0x40, $0x38;
	v5 =	vadd.f32 v6, v5;
	[tilespmem:$0x550] =	vst v63  }
0xb7: {  	v4 =	vnsel vm15, $0x0, v4;
	_ =	swait.ge [sflag:s7], $0x40  }
0xb8: {  	[sflag:s7] =	ssyncset.done $0x0;
	v4 =	vadd.f32 v5, v4  }
0xb9: {  	s30 =	sshll.u32 s1, $0x4;
	[sflag:s7] =	ssyncadd.s32 $0xFFFFFFC0  }
0xba: {  	s31 =	simm.s32 $0x300;
	s12 =	sadd.s32 s30, s4;
	[tilespmem:$0x300] =	vst v4  }
0xbb: {  	[spmem:s12] =	stream.linear.scatter [tilespmem:s31], [sflag:$0x2], $0x10, $0x38;
	[tilespmem:$0x550] =	vst v63  }
0xbc: {  	_ =	swait.ge [sflag:s7], $0x10  }
0xbd: {  	s12 =	sadd.s32 $0xE00, s5;
	[sflag:s7] =	ssyncset.done $0x0  }
.Ltmp0:
0xbe: {  	s8 =	sadd.s32 s12, s8;
	[sflag:s7] =	ssyncadd.s32 $0xFFFFFFF0;
	(pc) =	sbr.rel @!p2 .LBB2_2-.Ltmp0, $4  }
0xbf: {  	[hbm4b:s8+s9] =	stream.linear.scatter @!p0 [tilespmem:s11], [sflag:$0x2], $0x1C0, $0x38;
	[tilespmem:$0x550] =	vst v63  }
0xc0: {  	_ =	swait.ge @!p0 [sflag:s10], $0x1C0  }
0xc1: {  	[sflag:s10] =	ssyncset.done @!p0 $0x0  }
0xc2: {  	[sflag:s10] =	ssyncadd.s32 @!p0 $0xFFFFFE40  }
0xc3: {  	s2 =	sadd.s32 $0x1110, s5;
	s3 =	simm.s32 $0x100  }
0xc4: {  	[hbm4b:s2+s6] =	stream.linear.scatter [tilespmem:s3], [sflag:$0x2], $0x80, $0x38;
	[tilespmem:$0x550] =	vst v63  }
.Ltmp1:
0xc5: {  	_ =	swait.ge [sflag:s7], $0x80;
	(pc) =	sbr.rel .LBB2_6-.Ltmp1, $3  }
0xc6: {  	[sflag:s7] =	ssyncset.done $0x0  }
0xc7: {  	[sflag:s7] =	ssyncadd.s32 $0xFFFFFF80  }
0xc8: {  	[bflag:$0x0] =	sbarrier.arrive $0xFFFF;
	_ =	sdelay $0x1  }
.LBB2_2:
0xc9: {  	p0 =	sne.s32 s1, $0x0;
	[bflag:$0x0] =	sbarrier.arrive $0xFFFF  }
0xca: {  	_ =	sfence.sel @p0 $0x180000  }
0xcb: {  	[bflag:$0x0] =	sbarrier.arrive @p0 $0xFFFF  }
0xcc: {  	_ =	strace @p0 $0x90000047  }
0xcd: {  	[bflag:$0x2] =	sbarrier.arrive @p0 $0xFFFF  }
0xce: {  	_ =	shalt @p0  }
.LBB2_3:
0xcf: {  	v4 =	vlaneseq.u32  }
0xd0: {  	v5 =	vmul.u32 $0x10, v4  }
0xd1: {  	s6 =	simm.s32 $0x380;
	s5 =	simm.s32 $0x2  }
0xd2: {  	[tilespmem:s6], [sflag:$0x2] =	stream.linear.gather [spmem:s4], $0x100, $0x38;
	[tilespmem:$0x550] =	vst v63  }
0xd3: {  	_ =	swait.ge [sflag:s5], $0x100  }
0xd4: {  	[sflag:s5] =	ssyncset.done $0x0  }
0xd5: {  	[sflag:s5] =	ssyncadd.s32 $0xFFFFFF00  }
0xd6: {  	v6 =	vld.idx.msk [tilespmem:v5+s6+$0x0], $0xffff;
	_ =	sdelay $0x4  }
0xd7: {  	(xrf0) =	vmax.scan.msk.f32 $0xffff, v6;
	_ =	sdelay $0x3  }
0xd8: {  	v7 =	vor.u32 $0x2, v5;
	_ =	sdelay $0x1  }
0xd9: {  	v8, _, _ =	vpop (xrf0)  }
0xda: {  	v9 =	vbroadcast v8, $0xF;
	_ =	sdelay $0x1  }
0xdb: {  	v7 =	vld.idx.msk [tilespmem:v7+s6+$0x0], $0xffff;
	vm0 =	veq.f32 v6, v9  }
0xdc: {  	v49 =	vld [tilespmem:$0x40];
	v6 =	vmctz.xlane vm0  }
0xdd: {  	v10 =	vld [tilespmem:$0x50]  }
0xde: {  	v6 =	vxor.u32 $0x80000000, v6  }
0xdf: {  	(xrf0) =	vmax.scan.msk.u32 $0xffff, v6  }
0xe0: {  	(xrf0) =	vmax.scan.msk.f32 $0xffff, v7  }
0xe1: {  	(xrf0) =	vmax.scan.msk.f32 $0xffff, v49  }
0xe2: {  	(xrf0) =	vmin.scan.msk.f32 $0xffff, v10;
	_ =	sdelay $0x2  }
0xe3: {  	v6, _, _ =	vpop (xrf0)  }
0xe4: {  	v7, _, _ =	vpop (xrf0)  }
0xe5: {  	v9, _, _ =	vpop (xrf0)  }
0xe6: {  	v11, _, _ =	vpop (xrf0)  }
0xe7: {  	v12 =	vbroadcast v11, $0xF;
	_ =	sdelay $0x1  }
0xe8: {  	v50 =	vld [tilespmem:$0x60];
	vm8 =	veq.f32 v10, v12  }
0xe9: {  	v12 =	vmctz.xlane vm8;
	_ =	sdelay $0x1  }
0xea: {  	v12 =	vxor.u32 $0x80000000, v12  }
0xeb: {  	(xrf0) =	vmax.scan.msk.u32 $0xffff, v12  }
0xec: {  	(xrf0) =	vmin.scan.msk.f32 $0xffff, v50;
	_ =	sdelay $0x4  }
0xed: {  	v12, _, _ =	vpop (xrf0)  }
0xee: {  	v13, _, _ =	vpop (xrf0)  }
0xef: {  	v14 =	vbroadcast v13, $0xF;
	_ =	sdelay $0x1  }
0xf0: {  	v51 =	vld [tilespmem:$0x70];
	vm9 =	veq.f32 v50, v14  }
0xf1: {  	v14 =	vmctz.xlane vm9;
	_ =	sdelay $0x1  }
0xf2: {  	v14 =	vxor.u32 $0x80000000, v14  }
0xf3: {  	(xrf0) =	vmax.scan.msk.u32 $0xffff, v14  }
0xf4: {  	(xrf0) =	vmin.scan.msk.f32 $0xffff, v51;
	_ =	sdelay $0x4  }
0xf5: {  	v14, _, _ =	vpop (xrf0)  }
0xf6: {  	v15, _, _ =	vpop (xrf0)  }
0xf7: {  	v16 =	vbroadcast v15, $0xF;
	_ =	sdelay $0x1  }
0xf8: {  	v52 =	vld [tilespmem:$0x80];
	vm10 =	veq.f32 v51, v16  }
0xf9: {  	v16 =	vmctz.xlane vm10;
	_ =	sdelay $0x1  }
0xfa: {  	v16 =	vxor.u32 $0x80000000, v16  }
0xfb: {  	(xrf0) =	vmax.scan.msk.u32 $0xffff, v16  }
0xfc: {  	(xrf0) =	vmin.scan.msk.f32 $0xffff, v52;
	_ =	sdelay $0x4  }
0xfd: {  	v16, _, _ =	vpop (xrf0)  }
0xfe: {  	v17, _, _ =	vpop (xrf0)  }
0xff: {  	v18 =	vbroadcast v17, $0xF;
	_ =	sdelay $0x1  }
0x100: {  	v53 =	vld [tilespmem:$0x90];
	vm11 =	veq.f32 v52, v18  }
0x101: {  	(v2sf) =	vpush v8, $0xF;
	v54 =	vmctz.xlane vm11  }
0x102: {  	(v2sf) =	vpush v6, $0xF  }
0x103: {  	v8 =	vxor.u32 $0x80000000, v54  }
0x104: {  	(xrf0) =	vmax.scan.msk.u32 $0xffff, v8  }
0x105: {  	(xrf0) =	vmin.scan.msk.f32 $0xffff, v53;
	_ =	sdelay $0x4  }
0x106: {  	v8, _, _ =	vpop (xrf0)  }
0x107: {  	v5 =	vor.u32 $0x1, v5;
	v55, _, _ =	vpop (xrf0)  }
0x108: {  	v56 =	vbroadcast v55, $0xF;
	_ =	sdelay $0x1  }
0x109: {  	v57 =	vld [tilespmem:$0xA0];
	vm12 =	veq.f32 v53, v56  }
0x10a: {  	v18 =	vmctz.xlane vm12  }
0x10b: {  	v5 =	vld.idx.msk [tilespmem:v5+s6+$0x0], $0xffff;
	s7 =	spop (v2sf)  }
0x10c: {  	s8 =	spop (v2sf);
	v18 =	vxor.u32 $0x80000000, v18  }
0x10d: {  	s18 =	sxor.u32 $0x80000000, s8;
	(xrf0) =	vmax.scan.msk.u32 $0xffff, v18  }
0x10e: {  	v19 =	vmov s18;
	(xrf0) =	vmin.scan.msk.f32 $0xffff, v57  }
0x10f: {  	vm13 =	veq.s32 v19, v4  }
0x110: {  	v4 =	vnsel vm13, $0x0, v5  }
0x111: {  	(xrf2) =	vadd.scan.msk.f32 $0xffff, v4;
	_ =	sdelay $0x1  }
0x112: {  	v4, _, _ =	vpop (xrf0)  }
0x113: {  	v5, _, _ =	vpop (xrf0)  }
0x114: {  	v58 =	vbroadcast v5, $0xF;
	_ =	sdelay $0x1  }
0x115: {  	v59 =	vld [tilespmem:$0xB0];
	vm14 =	veq.f32 v57, v58  }
0x116: {  	v18 =	vmctz.xlane vm14;
	_ =	sdelay $0x1  }
0x117: {  	v18 =	vxor.u32 $0x80000000, v18  }
0x118: {  	v60, _, _ =	vpop (xrf2);
	(xrf0) =	vmax.scan.msk.u32 $0xffff, v18  }
0x119: {  	(v2sf) =	vpush v60, $0xF;
	(xrf0) =	vmin.scan.msk.f32 $0xffff, v59  }
0x11a: {  	(v2sf) =	vpush v7, $0xF  }
0x11b: {  	(v2sf) =	vpush v9, $0xF  }
0x11c: {  	(v2sf) =	vpush v11, $0xF  }
0x11d: {  	(v2sf) =	vpush v12, $0xF  }
0x11e: {  	(v2sf) =	vpush v13, $0xF;
	v61, _, _ =	vpop (xrf0)  }
0x11f: {  	(v2sf) =	vpush v14, $0xF;
	v62, _, _ =	vpop (xrf0)  }
0x120: {  	(v2sf) =	vpush v15, $0xF;
	v63 =	vbroadcast v62, $0xF  }
0x121: {  	(v2sf) =	vpush v16, $0xF  }
0x122: {  	(v2sf) =	vpush v17, $0xF;
	vm15 =	veq.f32 v59, v63  }
0x123: {  	(v2sf) =	vpush v8, $0xF;
	v6 =	vmctz.xlane vm15  }
0x124: {  	(v2sf) =	vpush v55, $0xF  }
0x125: {  	(v2sf) =	vpush v4, $0xF;
	v4 =	vxor.u32 $0x80000000, v6  }
0x126: {  	(xrf0) =	vmax.scan.msk.u32 $0xffff, v4  }
0x127: {  	s8 =	sshll.u32 s8, $0x8  }
0x128: {  	s8 =	sshra.s32 s8, $0x2;
	s9 =	spop (v2sf);
	(v2sf) =	vpush v5, $0xF  }
0x129: {  	s31 =	simm.s32 $0x480;
	s3 =	sadd.s32 s8, s3  }
0x12a: {  	[tilespmem:s31], [sflag:$0x2] =	stream.linear.gather [spmem:s3], $0x40, $0x38;
	[tilespmem:$0x550] =	vst v63  }
0x12b: {  	s10 =	spop (v2sf);
	(v2sf) =	vpush v61, $0xF  }
0x12c: {  	p2 =	sgt.f32 s7, $8.500000230e-01;
	s6 =	spop (v2sf);
	(v2sf) =	vpush v62, $0xF;
	v4, _, _ =	vpop (xrf0)  }
0x12d: {  	p6 =	slt.f32 s10, $9.999999960e-13;
	s19 =	spop (v2sf);
	(v2sf) =	vpush v4, $0xF  }
0x12e: {  	s11 =	spop (v2sf);
	p0 =	slt.f32 s19, $3.399999950e+38  }
0x12f: {  	s14 =	smin.f32 s19, $3.399999950e+38;
	s13 =	spop (v2sf)  }
0x130: {  	s20 =	spop (v2sf);
	p1 =	slt.f32 s13, s14  }
0x131: {  	s4 =	sxor.u32 $0x80000000, s11;
	s13 =	smin.f32 s14, s13;
	s15 =	spop (v2sf)  }
0x132: {  	s4 =	simm.s32 @!p0 $0x0;
	p0 =	slt.f32 s15, s13;
	s21 =	spop (v2sf)  }
0x133: {  	s11 =	sadd.s32 $0x80000010, s20;
	s13 =	smin.f32 s13, s15;
	s22 =	spop (v2sf)  }
0x134: {  	s4 =	smov.u32 @p1 s11;
	p1 =	slt.f32 s22, s13;
	s23 =	spop (v2sf)  }
0x135: {  	s11 =	sadd.s32 $0x80000020, s21;
	s13 =	smin.f32 s13, s22;
	s24 =	spop (v2sf)  }
0x136: {  	s4 =	smov.u32 @p0 s11;
	p0 =	slt.f32 s24, s13;
	s25 =	spop (v2sf)  }
0x137: {  	s15 =	sadd.s32 $0x80000030, s23;
	s11 =	smin.f32 s13, s24;
	s26 =	spop (v2sf)  }
0x138: {  	s4 =	smov.u32 @p1 s15;
	s15 =	sadd.s32 $0x80000040, s25;
	p1 =	slt.f32 s26, s11  }
0x139: {  	s4 =	smov.u32 @p0 s15;
	s11 =	smin.f32 s11, s26;
	p0 =	por !p6, !p6  }
0x13a: {  	p2 =	por !p2, !p0;
	p0 =	sgt.f32 s6, $4.499999880e-01;
	s28 =	spop (v2sf)  }
.Ltmp2:
0x13b: {  	s13 =	sadd.s32 $0x80000050, s28;
	s29 =	spop (v2sf);
	(pc) =	sbr.rel @!p0 .LBB2_5-.Ltmp2, $4  }
0x13c: {  	s4 =	smov.u32 @p1 s13;
	p1 =	slt.f32 s29, s11;
	s30 =	spop (v2sf)  }
0x13d: {  	s9 =	scvt.f32.s32 s9;
	s10 =	sadd.s32 $0x80000060, s30;
	_ =	swait.ge [sflag:s5], $0x40  }
0x13e: {  	s4 =	smov.u32 @p1 s10;
	p1 =	por !p2, !p2;
	[sflag:s5] =	ssyncset.done $0x0  }
0x13f: {  	s3 =	simm.s32 $0x0;
	s4 =	smov.u32 @p1 s9;
	[sflag:s5] =	ssyncadd.s32 $0xFFFFFFC0  }
0x140: {  	v4 =	vld [tilespmem:$0x480]  }
0x141: {  	v5 =	vld [tilespmem:$0x490];
	_ =	sdelay $0x1  }
0x142: {  	v6 =	vld [tilespmem:$0x4A0]  }
0x143: {  	v7 =	vld [tilespmem:$0x4B0]  }
0x144: {  	v8 =	vmul.f32 $2.000000030e-01, v2;
	v9 =	vmul.f32 $2.000000030e-01, v1  }
0x145: {  	v4 =	vmul.f32 $8.000000110e-01, v4;
	v5 =	vmul.f32 $8.000000110e-01, v5  }
0x146: {  	v48 =	vmul.f32 $2.000000030e-01, v3  }
0x147: {  	v6 =	vmul.f32 $8.000000110e-01, v6;
	v4 =	vadd.f32 v4, v8;
	v5 =	vadd.f32 v5, v9  }
0x148: {  	v49 =	vmul.f32 $2.000000030e-01, v0;
	v7 =	vmul.f32 $8.000000110e-01, v7  }
0x149: {  	v6 =	vadd.f32 v6, v48;
	v10 =	vmul.f32 v4, v4;
	v11 =	vmul.f32 v5, v5;
	_ =	sdelay $0x1  }
0x14a: {  	v7 =	vadd.f32 v7, v49;
	v51 =	vmul.f32 v6, v6;
	v50 =	vadd.f32 v11, v10;
	_ =	sdelay $0x1  }
0x14b: {  	v52 =	vmul.f32 v7, v7;
	v8 =	vadd.f32 v51, v50;
	_ =	sdelay $0x1  }
0x14c: {  	v8 =	vadd.f32 v8, v52;
	_ =	sdelay $0x1  }
0x14d: {  	(xrf2) =	vadd.scan.msk.f32 $0xffff, v8;
	_ =	sdelay $0x9  }
0x14e: {  	v8, _, _ =	vpop (xrf2)  }
0x14f: {  	v8 =	vbroadcast v8, $0xF;
	_ =	sdelay $0x1  }
0x150: {  	v53 =	vmul.f32 $5.000000000e-01, v8;
	v8 =	vshra.s32 v8, $0x1  }
0x151: {  	v8 =	vsub.s32 $0x5F3759DF, v8  }
0x152: {  	v54 =	vmul.f32 v8, v53;
	_ =	sdelay $0x1  }
0x153: {  	v10 =	vmul.f32 v8, v54;
	_ =	sdelay $0x1  }
0x154: {  	v10 =	vsub.f32 $1.500000000e+00, v10;
	_ =	sdelay $0x1  }
0x155: {  	v8 =	vmul.f32 v8, v10;
	_ =	sdelay $0x1  }
0x156: {  	v10 =	vmul.f32 v8, v53;
	_ =	sdelay $0x1  }
0x157: {  	v10 =	vmul.f32 v10, v8;
	_ =	sdelay $0x1  }
0x158: {  	v10 =	vsub.f32 $1.500000000e+00, v10;
	_ =	sdelay $0x1  }
0x159: {  	v8 =	vmul.f32 v10, v8;
	_ =	sdelay $0x1  }
0x15a: {  	s5 =	sadd.s32 $0x50, s9;
	v9 =	vmul.f32 v8, v53  }
0x15b: {  	v55 =	vmov s5  }
0x15c: {  	v9 =	vmul.f32 v9, v8;
	_ =	sdelay $0x1  }
0x15d: {  	v9 =	vsub.f32 $1.500000000e+00, v9;
	_ =	sdelay $0x1  }
0x15e: {  	v10 =	vld.idx.msk [tilespmem:v55+s3+$0x0], $0xffff;
	v8 =	vmul.f32 v9, v8;
	_ =	sdelay $0x1  }
0x15f: {  	(xrf0) =	vmax.scan.msk.f32 $0xffff, v8;
	_ =	sdelay $0x2  }
0x160: {  	(xrf0) =	vmax.scan.msk.f32 $0xffff, v10;
	_ =	sdelay $0x2  }
0x161: {  	v8, _, _ =	vpop (xrf0)  }
0x162: {  	(v2sf) =	vpush v8, $0xF;
	_ =	sdelay $0x1  }
0x163: {  	v56, _, _ =	vpop (xrf0)  }
0x164: {  	(v2sf) =	vpush v56, $0xF;
	_ =	sdelay $0xb  }
0x165: {  	s30 =	spop (v2sf)  }
0x166: {  	s5 =	smin.f32 s30, $9.999999950e+11  }
0x167: {  	s7 =	smul.f32 $5.000000000e-01, s6;
	v4 =	vmul.f32 s5, v4  }
0x168: {  	s31 =	sadd.s32 $0x50, s4;
	s8 =	spop (v2sf);
	v5 =	vmul.f32 s5, v5  }
0x169: {  	v57 =	vmov s31;
	s7 =	sadd.f32 s8, s7;
	v6 =	vmul.f32 s5, v6;
	v58 =	vpsel p1, v4, v2  }
0x16a: {  	v59 =	vmul.f32 s5, v7;
	v60 =	vpsel p1, v5, v1;
	[tilespmem:$0x480] =	vst v58  }
0x16b: {  	v61 =	vpsel p1, v6, v3;
	s5 =	smin.f32 s7, $1.000000000e+00;
	[tilespmem:$0x490] =	vst v60  }
0x16c: {  	v62 =	vpsel p1, v59, v0;
	s6 =	smov.u32 @p1 s5;
	[tilespmem:$0x4A0] =	vst v61  }
0x16d: {  	[tilespmem:$0x4B0] =	vst v62;
	v63 =	vmov s6  }
0x16e: {  	[tilespmem:v57+s3+$0x0] =	vst.idx.msk $0xffff, v63  }
.LBB2_5:
0x16f: {  	v0 =	vld [tilespmem:$0x50]  }
0x170: {  	v1 =	vld [tilespmem:$0x60]  }
0x171: {  	v2 =	vld [tilespmem:$0x70]  }
0x172: {  	v3 =	vld [tilespmem:$0x80]  }
0x173: {  	v4 =	vld [tilespmem:$0x90]  }
0x174: {  	v6 =	vld [tilespmem:$0xA0]  }
0x175: {  	v8 =	vld [tilespmem:$0xB0];
	_ =	sdelay $0x1  }
0x176: {  	v0 =	vmul.f32 $9.950000040e-01, v0;
	v1 =	vmul.f32 $9.950000040e-01, v1  }
0x177: {  	v5 =	vimm.s32 $0x0;
	v2 =	vmul.f32 $9.950000040e-01, v2;
	v3 =	vmul.f32 $9.950000040e-01, v3  }
0x178: {  	v4 =	vmul.f32 $9.950000040e-01, v4;
	v6 =	vmul.f32 $9.950000040e-01, v6;
	vm0 =	vgt.f32 v0, $9.999999770e-03  }
0x179: {  	v58 =	vmul.f32 $9.950000040e-01, v8;
	vm10 =	vgt.f32 v1, $9.999999770e-03;
	v7 =	vsel vm0, $0x3F800000, v5  }
0x17a: {  	vm11 =	vgt.f32 v2, $9.999999770e-03;
	v55 =	vsel vm10, $0x3F800000, v5;
	v0 =	vmul.f32 v7, v0  }
0x17b: {  	vm14 =	vgt.f32 v6, $9.999999770e-03;
	v56 =	vsel vm11, $0x3F800000, v5;
	v1 =	vmul.f32 v55, v1  }
0x17c: {  	vm15 =	vgt.f32 v58, $9.999999770e-03;
	v60 =	vsel vm14, $0x3F800000, v5;
	v2 =	vmul.f32 v56, v2;
	[tilespmem:$0x50] =	vst v0  }
0x17d: {  	vm12 =	vgt.f32 v3, $9.999999770e-03;
	v62 =	vsel vm15, $0x3F800000, v5;
	v61 =	vmul.f32 v60, v6;
	[tilespmem:$0x60] =	vst v1  }
0x17e: {  	vm13 =	vgt.f32 v4, $9.999999770e-03;
	v57 =	vsel vm12, $0x3F800000, v5;
	v63 =	vmul.f32 v62, v58;
	[tilespmem:$0x70] =	vst v2  }
0x17f: {  	v59 =	vsel vm13, $0x3F800000, v5;
	v0 =	vmul.f32 v57, v3;
	[tilespmem:$0xA0] =	vst v61  }
0x180: {  	v1 =	vmul.f32 v59, v4;
	[tilespmem:$0xB0] =	vst v63  }
0x181: {  	[tilespmem:$0x80] =	vst v0  }
0x182: {  	s5 =	simm.s32 $0x50;
	[tilespmem:$0x90] =	vst v1  }
0x183: {  	[hbm4b:s2+s3] =	stream.linear.scatter [tilespmem:s5], [sflag:$0x1], $0x64, $0x38;
	[tilespmem:$0x550] =	vst v63  }
0x184: {  	s2 =	sshll.u32 @p0 s4, $0x3  }
0x185: {  	s2 =	sand.u32 @p0 $0x1FFFFFF8, s2  }
0x186: {  	s3 =	simm.s32 @p0 $0x0;
	s4 =	simm.s32 @p0 $0x480;
	s2 =	sadd.s32 @p0 s12, s2  }
0x187: {  	[hbm4b:s2+s3] =	stream.linear.scatter @p0 [tilespmem:s4], [sflag:$0x2], $0x40, $0x38;
	[tilespmem:$0x550] =	vst v63  }
0x188: {  	s2 =	simm.s32 @p0 $0x2  }
0x189: {  	_ =	swait.ge @p0 [sflag:s2], $0x40  }
0x18a: {  	[sflag:s2] =	ssyncset.done @p0 $0x0  }
0x18b: {  	s31 =	simm.s32 $0x1;
	[sflag:s2] =	ssyncadd.s32 @p0 $0xFFFFFFC0  }
0x18c: {  	_ =	swait.ge [sflag:s31], $0x64  }
0x18d: {  	[sflag:s31] =	ssyncset.done $0x0  }
0x18e: {  	[sflag:s31] =	ssyncadd.s32 $0xFFFFFF9C  }
.LBB2_6:
0x18f: {  	_ =	sfence.sel $0x180000  }
0x190: {  	[bflag:$0x0] =	sbarrier.arrive $0xFFFF  }
0x191: {  	p0 =	sne.s32 s1, $0x0;
	_ =	strace $0x90000047  }
0x192: {  	s0 =	sadd.s32 @!p0 $0x100000, s0;
	[bflag:$0x2] =	sbarrier.arrive $0xFFFF  }
0x193: {  	[sflag:s0] =	ssyncadd.tile.s32 @!p0 $0x1;
	_ =	shalt  }
.Lfunc_end2:
_tile_overlayer_lowered:
.L_overlay_start_2:
0x194: {  	(tag) =	ssettag $0x2  }
0x195: {  	s0 =	rddreg [dreg:$0x0];
	s2 =	stileid.u32  }
0x196: {  	s1 =	rddreg [dreg:$0x1];
	p0 =	sne.s32 s2, $0x0  }
0x197: {  	s3 =	rddreg [dreg:$0x2];
	[bflag:$0x3] =	sbarrier.arrive $0xFFFF;
	s2 =	simm.s32 @!p0 $0x1C02  }
0x198: {  	[timem:s3], [sflag:s2] =	dma.local @!p0 [hbm:s0], s1  }
0x199: {  	s0 =	simm.s32 @!p0 $0x2  }
0x19a: {  	_ =	swait.ge @!p0 [sflag:s0], s1  }
0x19b: {  	s1 =	ssub.s32 @!p0 $0x0, s1;
	[sflag:s0] =	ssyncset.done @!p0 $0x0  }
0x19c: {  	[sflag:s0] =	ssyncadd.s32 @!p0 s1  }
0x19d: {  	[bflag:$0x3] =	sbarrier.arrive $0xFFFF  }
0x19e: {  	_ =	shalt  }

</sc_bundles>
